<compile_context>
chip_gen: v7x
topology: tpu7x:2x2x1
jax: 0.10.2.dev20260603
libtpu: 0.0.44.dev20260713+nightly
codegen_flags: <defaults>
</compile_context>

<pallas_src>
import functools
import jax
import jax.numpy as jnp
from jax import lax
from jax.experimental import pallas as pl
from jax.experimental.pallas import tpu as pltpu
from jax.experimental.pallas import tpu_sc as plsc

N, E, DIN, H, C = 10000, 320000, 128, 256, 42
D1 = 144
D2 = 48
NTILES = 32
EPT = E // NTILES
CHUNK = 80
NCHUNK = EPT // CHUNK
NP = 10112
RPT = NP // 16


def _make_seg_sum(D):
    mesh = plsc.VectorSubcoreMesh(core_axis_name="c", subcore_axis_name="s")

    @functools.partial(
        pl.kernel,
        mesh=mesh,
        out_type=jax.ShapeDtypeStruct((2, NP, D), jnp.float32),
        compiler_params=pltpu.CompilerParams(use_tc_tiling_on_sc=False),
        scratch_types=[
            pltpu.VMEM((NCHUNK, CHUNK), jnp.int32),
            pltpu.VMEM((NCHUNK, CHUNK), jnp.int32),
            pltpu.VMEM((CHUNK, D), jnp.float32),
            pltpu.VMEM_SHARED((NP, D), jnp.float32),
            pltpu.SemaphoreType.DMA,
        ],
    )
    def seg(table_hbm, src_hbm, dst_hbm, zeros_hbm, out_hbm,
            srcv, dstv, rows, acc, sem):
        c = lax.axis_index("c")
        s = lax.axis_index("s")
        wid = c * 16 + s
        rbase = s * RPT
        pltpu.sync_copy(zeros_hbm, acc.at[pl.ds(rbase, RPT)])
        pltpu.sync_copy(src_hbm.at[wid], srcv)
        pltpu.sync_copy(dst_hbm.at[wid], dstv)
        plsc.subcore_barrier()

        def body(i, carry):
            pltpu.async_copy(table_hbm.at[srcv.at[i]], rows, sem).wait()
            pltpu.sync_copy(rows, acc.at[dstv.at[i]], add=True)
            return carry

        lax.fori_loop(0, NCHUNK, body, 0)
        plsc.subcore_barrier()
        pltpu.sync_copy(acc.at[pl.ds(rbase, RPT)],
                        out_hbm.at[c, pl.ds(rbase, RPT)])

    return seg


_seg1 = _make_seg_sum(D1)
_seg2 = _make_seg_sum(D2)

_BR = 1000


def _dense1_body(x_ref, p0_ref, p1_ref, w1l_ref, b1_ref, w1r_ref, w2l_ref,
                 h_ref, pp_ref):
    p = p0_ref[...] + p1_ref[...]
    cnt = jnp.maximum(p[:, DIN:DIN + 1], 1.0)
    mean = p[:, :DIN] / cnt
    z = (lax.dot(mean, w1l_ref[...], precision=lax.Precision.HIGHEST)
         + lax.dot(x_ref[...], w1r_ref[...], precision=lax.Precision.HIGHEST)
         + b1_ref[...])
    h = jnp.maximum(z, 0.0)
    h_ref[...] = h
    pp_ref[...] = lax.dot(h, w2l_ref[...], precision=lax.Precision.HIGHEST)


def _dense1(x, p0, p1, w1l_t, b1, w1r_t, w2l_t):
    grid = (N // _BR,)
    return pl.pallas_call(
        _dense1_body,
        grid=grid,
        in_specs=[
            pl.BlockSpec((_BR, DIN), lambda i: (i, 0)),
            pl.BlockSpec((_BR, D1), lambda i: (i, 0)),
            pl.BlockSpec((_BR, D1), lambda i: (i, 0)),
            pl.BlockSpec((DIN, H), lambda i: (0, 0)),
            pl.BlockSpec((1, H), lambda i: (0, 0)),
            pl.BlockSpec((DIN, H), lambda i: (0, 0)),
            pl.BlockSpec((H, D2), lambda i: (0, 0)),
        ],
        out_specs=[
            pl.BlockSpec((_BR, H), lambda i: (i, 0)),
            pl.BlockSpec((_BR, D2), lambda i: (i, 0)),
        ],
        out_shape=[
            jax.ShapeDtypeStruct((N, H), jnp.float32),
            jax.ShapeDtypeStruct((N, D2), jnp.float32),
        ],
    )(x, p0, p1, w1l_t, b1, w1r_t, w2l_t)


def _dense2_body(q0_ref, q1_ref, h_ref, c0_ref, c1_ref, w2r_ref, b2_ref,
                 out_ref):
    q = q0_ref[:, :C] + q1_ref[:, :C]
    cnt = jnp.maximum(c0_ref[:, 0:1] + c1_ref[:, 0:1], 1.0)
    z = (q / cnt + b2_ref[...]
         + lax.dot(h_ref[...], w2r_ref[...], precision=lax.Precision.HIGHEST))
    z = z - jnp.max(z, axis=1, keepdims=True)
    out_ref[...] = z - jnp.log(jnp.sum(jnp.exp(z), axis=1, keepdims=True))


def _dense2(q0, q1, h, c0, c1, w2r_t, b2):
    grid = (N // _BR,)
    return pl.pallas_call(
        _dense2_body,
        grid=grid,
        in_specs=[
            pl.BlockSpec((_BR, D2), lambda i: (i, 0)),
            pl.BlockSpec((_BR, D2), lambda i: (i, 0)),
            pl.BlockSpec((_BR, H), lambda i: (i, 0)),
            pl.BlockSpec((_BR, 8), lambda i: (i, 0)),
            pl.BlockSpec((_BR, 8), lambda i: (i, 0)),
            pl.BlockSpec((H, C), lambda i: (0, 0)),
            pl.BlockSpec((1, C), lambda i: (0, 0)),
        ],
        out_specs=pl.BlockSpec((_BR, C), lambda i: (i, 0)),
        out_shape=jax.ShapeDtypeStruct((N, C), jnp.float32),
    )(q0, q1, h, c0, c1, w2r_t, b2)


@jax.jit
def kernel(x, edge_index, W1l, b1, W1r, W2l, b2, W2r):
    src = edge_index[0].reshape(NTILES, NCHUNK, CHUNK)
    dst = edge_index[1].reshape(NTILES, NCHUNK, CHUNK)
    xa = jnp.concatenate(
        [x, jnp.ones((N, 1), jnp.float32), jnp.zeros((N, D1 - DIN - 1), jnp.float32)],
        axis=1)
    z1 = jnp.zeros((RPT, D1), jnp.float32)
    z2 = jnp.zeros((RPT, D2), jnp.float32)

    p = _seg1(xa, src, dst, z1)
    p0, p1 = p[0, :N], p[1, :N]
    h, pp = _dense1(x, p0, p1,
                    W1l.T, b1.reshape(1, H), W1r.T,
                    jnp.pad(W2l, ((0, D2 - C), (0, 0))).T)
    q = _seg2(pp, src, dst, z2)
    c0 = lax.slice(p0, (0, DIN), (N, DIN + 8))
    c1 = lax.slice(p1, (0, DIN), (N, DIN + 8))
    out = _dense2(q[0, :N], q[1, :N], h, c0, c1, W2r.T, b2.reshape(1, C))
    return out

# --- scband reference (transcript-rebuilt; emitter-appended) ---
"""Pipeline reference for scband-sage-reddit-51118700757722 (READ-ONLY COPY).

The authoritative reference and input builder live on the scoring server;
editing this copy changes nothing except your own understanding.
"""

import jax, jax.numpy as jnp
import numpy as np

N, E, DIN, H, C = 10000, 320000, 128, 256, 42


def setup_inputs(seed: int = 0) -> dict:
    key = jax.random.key(seed)
    ks = jax.random.split(key, 8)
    x = jax.random.normal(ks[0], (N, DIN), dtype=jnp.float32)
    edge_index = jax.random.randint(ks[1], (2, E), 0, N, dtype=jnp.int32)
    # SAGEConv layer 1: lin_l (aggregated neighbors, with bias), lin_r (root, no bias)
    W1l = jax.random.normal(ks[2], (H, DIN), dtype=jnp.float32) * (1.0 / np.sqrt(DIN))
    b1 = jnp.zeros((H,), dtype=jnp.float32)
    W1r = jax.random.normal(ks[3], (H, DIN), dtype=jnp.float32) * (1.0 / np.sqrt(DIN))
    # SAGEConv layer 2
    W2l = jax.random.normal(ks[4], (C, H), dtype=jnp.float32) * (1.0 / np.sqrt(H))
    b2 = jnp.zeros((C,), dtype=jnp.float32)
    W2r = jax.random.normal(ks[5], (C, H), dtype=jnp.float32) * (1.0 / np.sqrt(H))
    return {"x": x, "edge_index": edge_index, "W1l": W1l, "b1": b1, "W1r": W1r,
            "W2l": W2l, "b2": b2, "W2r": W2r}


def _sage_conv(h, src, dst, Wl, b, Wr):
    n = h.shape[0]
    msg = h[src]  # gather source node features per edge
    agg = jax.ops.segment_sum(msg, dst, num_segments=n)
    cnt = jax.ops.segment_sum(jnp.ones((msg.shape[0],), dtype=h.dtype), dst, num_segments=n)
    mean = agg / jnp.clip(cnt, 1.0, None)[:, None]
    return mean @ Wl.T + b + h @ Wr.T


def reference(x, edge_index, W1l, b1, W1r, W2l, b2, W2r):
    src = edge_index[0]
    dst = edge_index[1]
    h = _sage_conv(x, src, dst, W1l, b1, W1r)
    h = jax.nn.relu(h)
    # dropout is identity in eval mode
    out = _sage_conv(h, src, dst, W2l, b2, W2r)
    return jax.nn.log_softmax(out, axis=1)

if __name__ == "__main__":
    import jax
    _d = setup_inputs()
    print(jax.jit(kernel)(*tuple(_d.values())))

</pallas_src>

<mosaic_0001>
#map = affine_map<(d0, d1) -> (0, 0)>
#map1 = affine_map<(d0, d1) -> (0, 0, 0)>
module attributes {stable_mosaic.version = 14 : i64} {
  func.func @seg(%arg0: i32, %arg1: i32, %arg2: memref<10000x144xf32, #tpu.memory_space<hbm>>, %arg3: memref<32x125x80xi32, #tpu.memory_space<hbm>>, %arg4: memref<32x125x80xi32, #tpu.memory_space<hbm>>, %arg5: memref<632x144xf32, #tpu.memory_space<hbm>>, %arg6: memref<2x10112x144xf32, #tpu.memory_space<hbm>>, %arg7: memref<125x80xi32, #tpu.memory_space<vmem>>, %arg8: memref<125x80xi32, #tpu.memory_space<vmem>>, %arg9: memref<80x144xf32, #tpu.memory_space<vmem>>, %arg10: memref<10112x144xf32, #tpu.memory_space<vmem_shared>>, %arg11: memref<!tpu.dma_semaphore, #tpu.memory_space<semaphore_mem>>) attributes {dimension_semantics = [#tpu.dimension_semantics<core_parallel>, #tpu.dimension_semantics<subcore_parallel>], iteration_bounds = array<i64: 2, 16>, scalar_prefetch = 0 : i64, scratch_operands = 5 : i64, tpu.core_type = #tpu.core_type<sc_vector_subcore>, window_params = [{transform_indices = #map}, {transform_indices = #map1}, {transform_indices = #map1}, {transform_indices = #map}, {transform_indices = #map1}]} {
    %mul3A = arith.constant 16 : i32
    %mul3A_0 = arith.muli %arg0, %mul3A : i32
    %add3A = arith.addi %mul3A_0, %arg1 : i32
    %mul3A_1 = arith.constant 632 : i32
    %mul3A_2 = arith.muli %arg1, %mul3A_1 : i32
    "tpu.region"() ({
      %run_scoped3A = tpu.sem_alloc : memref<!tpu.dma_semaphore, #tpu.memory_space<semaphore_mem>>
      %dma_start3A = arith.constant 0 : i32
      %dma_start3A_9 = tpu.memref_slice %arg10[%mul3A_2, %dma_start3A] : memref<10112x144xf32, #tpu.memory_space<vmem_shared>> -> memref<632x144xf32, #tpu.memory_space<vmem_shared>>
      tpu.enqueue_dma source(%arg5 : memref<632x144xf32, #tpu.memory_space<hbm>>) target(%dma_start3A_9 : memref<632x144xf32, #tpu.memory_space<vmem_shared>>) target_semaphore(%run_scoped3A : memref<!tpu.dma_semaphore, #tpu.memory_space<semaphore_mem>>)
      %dma_wait3A = arith.constant 0 : i32
      %dma_wait3A_10 = tpu.memref_slice %arg10[%mul3A_2, %dma_wait3A] : memref<10112x144xf32, #tpu.memory_space<vmem_shared>> -> memref<632x144xf32, #tpu.memory_space<vmem_shared>>
      tpu.wait_dma2 semaphore(%run_scoped3A : memref<!tpu.dma_semaphore, #tpu.memory_space<semaphore_mem>>) src(%arg5 : memref<632x144xf32, #tpu.memory_space<hbm>>) dst(%dma_wait3A_10 : memref<632x144xf32, #tpu.memory_space<vmem_shared>>)
      tpu.yield
    }) : () -> ()
    "tpu.region"() ({
      %run_scoped3A = tpu.sem_alloc : memref<!tpu.dma_semaphore, #tpu.memory_space<semaphore_mem>>
      %dma_start3A = arith.constant 0 : i32
      %dma_start3A_9 = arith.constant 0 : i32
      %dma_start3A_10 = tpu.memref_slice %arg3[%add3A, %dma_start3A, %dma_start3A_9] : memref<32x125x80xi32, #tpu.memory_space<hbm>> -> memref<1x125x80xi32, #tpu.memory_space<hbm>>
      %dma_start3A_11 = tpu.memref_squeeze %dma_start3A_10 : memref<1x125x80xi32, #tpu.memory_space<hbm>> -> memref<125x80xi32, #tpu.memory_space<hbm>>
      %dma_start3A_12 = arith.constant 0 : i32
      %dma_start3A_13 = arith.constant 0 : i32
      %dma_start3A_14 = tpu.memref_slice %arg3[%add3A, %dma_start3A_12, %dma_start3A_13] : memref<32x125x80xi32, #tpu.memory_space<hbm>> -> memref<1x125x80xi32, #tpu.memory_space<hbm>>
      %dma_start3A_15 = tpu.memref_squeeze %dma_start3A_14 : memref<1x125x80xi32, #tpu.memory_space<hbm>> -> memref<125x80xi32, #tpu.memory_space<hbm>>
      tpu.enqueue_dma source(%dma_start3A_15 : memref<125x80xi32, #tpu.memory_space<hbm>>) target(%arg7 : memref<125x80xi32, #tpu.memory_space<vmem>>) target_semaphore(%run_scoped3A : memref<!tpu.dma_semaphore, #tpu.memory_space<semaphore_mem>>)
      %dma_wait3A = arith.constant 0 : i32
      %dma_wait3A_16 = arith.constant 0 : i32
      %dma_wait3A_17 = tpu.memref_slice %arg3[%add3A, %dma_wait3A, %dma_wait3A_16] : memref<32x125x80xi32, #tpu.memory_space<hbm>> -> memref<1x125x80xi32, #tpu.memory_space<hbm>>
      %dma_wait3A_18 = tpu.memref_squeeze %dma_wait3A_17 : memref<1x125x80xi32, #tpu.memory_space<hbm>> -> memref<125x80xi32, #tpu.memory_space<hbm>>
      %dma_wait3A_19 = arith.constant 0 : i32
      %dma_wait3A_20 = arith.constant 0 : i32
      %dma_wait3A_21 = tpu.memref_slice %arg3[%add3A, %dma_wait3A_19, %dma_wait3A_20] : memref<32x125x80xi32, #tpu.memory_space<hbm>> -> memref<1x125x80xi32, #tpu.memory_space<hbm>>
      %dma_wait3A_22 = tpu.memref_squeeze %dma_wait3A_21 : memref<1x125x80xi32, #tpu.memory_space<hbm>> -> memref<125x80xi32, #tpu.memory_space<hbm>>
      tpu.wait_dma2 semaphore(%run_scoped3A : memref<!tpu.dma_semaphore, #tpu.memory_space<semaphore_mem>>) src(%dma_wait3A_22 : memref<125x80xi32, #tpu.memory_space<hbm>>) dst(%arg7 : memref<125x80xi32, #tpu.memory_space<vmem>>)
      tpu.yield
    }) : () -> ()
    "tpu.region"() ({
      %run_scoped3A = tpu.sem_alloc : memref<!tpu.dma_semaphore, #tpu.memory_space<semaphore_mem>>
      %dma_start3A = arith.constant 0 : i32
      %dma_start3A_9 = arith.constant 0 : i32
      %dma_start3A_10 = tpu.memref_slice %arg4[%add3A, %dma_start3A, %dma_start3A_9] : memref<32x125x80xi32, #tpu.memory_space<hbm>> -> memref<1x125x80xi32, #tpu.memory_space<hbm>>
      %dma_start3A_11 = tpu.memref_squeeze %dma_start3A_10 : memref<1x125x80xi32, #tpu.memory_space<hbm>> -> memref<125x80xi32, #tpu.memory_space<hbm>>
      %dma_start3A_12 = arith.constant 0 : i32
      %dma_start3A_13 = arith.constant 0 : i32
      %dma_start3A_14 = tpu.memref_slice %arg4[%add3A, %dma_start3A_12, %dma_start3A_13] : memref<32x125x80xi32, #tpu.memory_space<hbm>> -> memref<1x125x80xi32, #tpu.memory_space<hbm>>
      %dma_start3A_15 = tpu.memref_squeeze %dma_start3A_14 : memref<1x125x80xi32, #tpu.memory_space<hbm>> -> memref<125x80xi32, #tpu.memory_space<hbm>>
      tpu.enqueue_dma source(%dma_start3A_15 : memref<125x80xi32, #tpu.memory_space<hbm>>) target(%arg8 : memref<125x80xi32, #tpu.memory_space<vmem>>) target_semaphore(%run_scoped3A : memref<!tpu.dma_semaphore, #tpu.memory_space<semaphore_mem>>)
      %dma_wait3A = arith.constant 0 : i32
      %dma_wait3A_16 = arith.constant 0 : i32
      %dma_wait3A_17 = tpu.memref_slice %arg4[%add3A, %dma_wait3A, %dma_wait3A_16] : memref<32x125x80xi32, #tpu.memory_space<hbm>> -> memref<1x125x80xi32, #tpu.memory_space<hbm>>
      %dma_wait3A_18 = tpu.memref_squeeze %dma_wait3A_17 : memref<1x125x80xi32, #tpu.memory_space<hbm>> -> memref<125x80xi32, #tpu.memory_space<hbm>>
      %dma_wait3A_19 = arith.constant 0 : i32
      %dma_wait3A_20 = arith.constant 0 : i32
      %dma_wait3A_21 = tpu.memref_slice %arg4[%add3A, %dma_wait3A_19, %dma_wait3A_20] : memref<32x125x80xi32, #tpu.memory_space<hbm>> -> memref<1x125x80xi32, #tpu.memory_space<hbm>>
      %dma_wait3A_22 = tpu.memref_squeeze %dma_wait3A_21 : memref<1x125x80xi32, #tpu.memory_space<hbm>> -> memref<125x80xi32, #tpu.memory_space<hbm>>
      tpu.wait_dma2 semaphore(%run_scoped3A : memref<!tpu.dma_semaphore, #tpu.memory_space<semaphore_mem>>) src(%dma_wait3A_22 : memref<125x80xi32, #tpu.memory_space<hbm>>) dst(%arg8 : memref<125x80xi32, #tpu.memory_space<vmem>>)
      tpu.yield
    }) : () -> ()
    %barrier3A = arith.constant 0 : index
    tpu.barrier barrier_id(%barrier3A)
    %scan3A = arith.constant 0 : i32
    %scan3A_3 = arith.constant 0 : i32
    %scan3A_4 = arith.constant 125 : i32
    %scan3A_5 = arith.addi %scan3A_3, %scan3A_4 : i32
    %scan3A_6 = arith.constant 1 : i32
    scf.for %scan3A_9 = %scan3A_3 to %scan3A_5 step %scan3A_6  : i32 {
      %dma_start3A = arith.constant 0 : i32
      %dma_start3A_10 = tpu.memref_slice %arg7[%scan3A_9, %dma_start3A] : memref<125x80xi32, #tpu.memory_space<vmem>> -> memref<1x80xi32, #tpu.memory_space<vmem>>
      %dma_start3A_11 = tpu.memref_squeeze %dma_start3A_10 : memref<1x80xi32, #tpu.memory_space<vmem>> -> memref<80xi32, #tpu.memory_space<vmem>>
      %dma_start3A_12 = arith.constant 0 : i32
      %dma_start3A_13 = arith.constant 0 : i32
      %dma_start3A_14 = tpu.memref_slice %arg2[%dma_start3A_12, %dma_start3A_13] : memref<10000x144xf32, #tpu.memory_space<hbm>> -> memref<10000x144xf32, #tpu.memory_space<hbm>>
      tpu.enqueue_indirect_dma source(%dma_start3A_14 : memref<10000x144xf32, #tpu.memory_space<hbm>>) target(%arg9 : memref<80x144xf32, #tpu.memory_space<vmem>>) offsets(%dma_start3A_11 : memref<80xi32, #tpu.memory_space<vmem>>) semaphore(%arg11 : memref<!tpu.dma_semaphore, #tpu.memory_space<semaphore_mem>>)
      %dma_wait3A = arith.constant 0 : i32
      %dma_wait3A_15 = tpu.memref_slice %arg7[%scan3A_9, %dma_wait3A] : memref<125x80xi32, #tpu.memory_space<vmem>> -> memref<1x80xi32, #tpu.memory_space<vmem>>
      %dma_wait3A_16 = tpu.memref_squeeze %dma_wait3A_15 : memref<1x80xi32, #tpu.memory_space<vmem>> -> memref<80xi32, #tpu.memory_space<vmem>>
      %dma_wait3A_17 = arith.constant 0 : i32
      %dma_wait3A_18 = arith.constant 0 : i32
      %dma_wait3A_19 = tpu.memref_slice %arg2[%dma_wait3A_17, %dma_wait3A_18] : memref<10000x144xf32, #tpu.memory_space<hbm>> -> memref<10000x144xf32, #tpu.memory_space<hbm>>
      tpu.wait_indirect_dma semaphore(%arg11 : memref<!tpu.dma_semaphore, #tpu.memory_space<semaphore_mem>>) src(%dma_wait3A_19 : memref<10000x144xf32, #tpu.memory_space<hbm>>) dst(%arg9 : memref<80x144xf32, #tpu.memory_space<vmem>>)
      "tpu.region"() ({
        %run_scoped3A = tpu.sem_alloc : memref<!tpu.dma_semaphore, #tpu.memory_space<semaphore_mem>>
        %dma_start3A_20 = arith.constant 0 : i32
        %dma_start3A_21 = tpu.memref_slice %arg8[%scan3A_9, %dma_start3A_20] : memref<125x80xi32, #tpu.memory_space<vmem>> -> memref<1x80xi32, #tpu.memory_space<vmem>>
        %dma_start3A_22 = tpu.memref_squeeze %dma_start3A_21 : memref<1x80xi32, #tpu.memory_space<vmem>> -> memref<80xi32, #tpu.memory_space<vmem>>
        %dma_start3A_23 = arith.constant 0 : i32
        %dma_start3A_24 = arith.constant 0 : i32
        %dma_start3A_25 = tpu.memref_slice %arg10[%dma_start3A_23, %dma_start3A_24] : memref<10112x144xf32, #tpu.memory_space<vmem_shared>> -> memref<10112x144xf32, #tpu.memory_space<vmem_shared>>
        tpu.enqueue_indirect_dma source(%arg9 : memref<80x144xf32, #tpu.memory_space<vmem>>) target(%dma_start3A_25 : memref<10112x144xf32, #tpu.memory_space<vmem_shared>>) offsets(%dma_start3A_22 : memref<80xi32, #tpu.memory_space<vmem>>) semaphore(%run_scoped3A : memref<!tpu.dma_semaphore, #tpu.memory_space<semaphore_mem>>) {add = true}
        %dma_wait3A_26 = arith.constant 0 : i32
        %dma_wait3A_27 = tpu.memref_slice %arg8[%scan3A_9, %dma_wait3A_26] : memref<125x80xi32, #tpu.memory_space<vmem>> -> memref<1x80xi32, #tpu.memory_space<vmem>>
        %dma_wait3A_28 = tpu.memref_squeeze %dma_wait3A_27 : memref<1x80xi32, #tpu.memory_space<vmem>> -> memref<80xi32, #tpu.memory_space<vmem>>
        %dma_wait3A_29 = arith.constant 0 : i32
        %dma_wait3A_30 = arith.constant 0 : i32
        %dma_wait3A_31 = tpu.memref_slice %arg10[%dma_wait3A_29, %dma_wait3A_30] : memref<10112x144xf32, #tpu.memory_space<vmem_shared>> -> memref<10112x144xf32, #tpu.memory_space<vmem_shared>>
        tpu.wait_indirect_dma semaphore(%run_scoped3A : memref<!tpu.dma_semaphore, #tpu.memory_space<semaphore_mem>>) src(%arg9 : memref<80x144xf32, #tpu.memory_space<vmem>>) dst(%dma_wait3A_31 : memref<10112x144xf32, #tpu.memory_space<vmem_shared>>)
        tpu.yield
      }) : () -> ()
    }
    %scan3A_7 = arith.constant 125 : i32
    %barrier3A_8 = arith.constant 0 : index
    tpu.barrier barrier_id(%barrier3A_8)
    "tpu.region"() ({
      %run_scoped3A = tpu.sem_alloc : memref<!tpu.dma_semaphore, #tpu.memory_space<semaphore_mem>>
      %dma_start3A = arith.constant 0 : i32
      %dma_start3A_9 = tpu.memref_slice %arg6[%arg0, %mul3A_2, %dma_start3A] : memref<2x10112x144xf32, #tpu.memory_space<hbm>> -> memref<1x632x144xf32, #tpu.memory_space<hbm>>
      %dma_start3A_10 = tpu.memref_squeeze %dma_start3A_9 : memref<1x632x144xf32, #tpu.memory_space<hbm>> -> memref<632x144xf32, #tpu.memory_space<hbm>>
      %dma_start3A_11 = arith.constant 0 : i32
      %dma_start3A_12 = tpu.memref_slice %arg10[%mul3A_2, %dma_start3A_11] : memref<10112x144xf32, #tpu.memory_space<vmem_shared>> -> memref<632x144xf32, #tpu.memory_space<vmem_shared>>
      tpu.enqueue_dma source(%dma_start3A_12 : memref<632x144xf32, #tpu.memory_space<vmem_shared>>) target(%dma_start3A_10 : memref<632x144xf32, #tpu.memory_space<hbm>>) target_semaphore(%run_scoped3A : memref<!tpu.dma_semaphore, #tpu.memory_space<semaphore_mem>>)
      %dma_wait3A = arith.constant 0 : i32
      %dma_wait3A_13 = tpu.memref_slice %arg6[%arg0, %mul3A_2, %dma_wait3A] : memref<2x10112x144xf32, #tpu.memory_space<hbm>> -> memref<1x632x144xf32, #tpu.memory_space<hbm>>
      %dma_wait3A_14 = tpu.memref_squeeze %dma_wait3A_13 : memref<1x632x144xf32, #tpu.memory_space<hbm>> -> memref<632x144xf32, #tpu.memory_space<hbm>>
      %dma_wait3A_15 = arith.constant 0 : i32
      %dma_wait3A_16 = tpu.memref_slice %arg10[%mul3A_2, %dma_wait3A_15] : memref<10112x144xf32, #tpu.memory_space<vmem_shared>> -> memref<632x144xf32, #tpu.memory_space<vmem_shared>>
      tpu.wait_dma2 semaphore(%run_scoped3A : memref<!tpu.dma_semaphore, #tpu.memory_space<semaphore_mem>>) src(%dma_wait3A_16 : memref<632x144xf32, #tpu.memory_space<vmem_shared>>) dst(%dma_wait3A_14 : memref<632x144xf32, #tpu.memory_space<hbm>>)
      tpu.yield
    }) : () -> ()
    return
  }
}

#map = affine_map<(d0, d1) -> (0, 0)>
#map1 = affine_map<(d0, d1) -> (0, 0, 0)>
module attributes {stable_mosaic.version = 14 : i64} {
  func.func @seg(%arg0: i32, %arg1: i32, %arg2: memref<10000x48xf32, #tpu.memory_space<hbm>>, %arg3: memref<32x125x80xi32, #tpu.memory_space<hbm>>, %arg4: memref<32x125x80xi32, #tpu.memory_space<hbm>>, %arg5: memref<632x48xf32, #tpu.memory_space<hbm>>, %arg6: memref<2x10112x48xf32, #tpu.memory_space<hbm>>, %arg7: memref<125x80xi32, #tpu.memory_space<vmem>>, %arg8: memref<125x80xi32, #tpu.memory_space<vmem>>, %arg9: memref<80x48xf32, #tpu.memory_space<vmem>>, %arg10: memref<10112x48xf32, #tpu.memory_space<vmem_shared>>, %arg11: memref<!tpu.dma_semaphore, #tpu.memory_space<semaphore_mem>>) attributes {dimension_semantics = [#tpu.dimension_semantics<core_parallel>, #tpu.dimension_semantics<subcore_parallel>], iteration_bounds = array<i64: 2, 16>, scalar_prefetch = 0 : i64, scratch_operands = 5 : i64, tpu.core_type = #tpu.core_type<sc_vector_subcore>, window_params = [{transform_indices = #map}, {transform_indices = #map1}, {transform_indices = #map1}, {transform_indices = #map}, {transform_indices = #map1}]} {
    %mul3A = arith.constant 16 : i32
    %mul3A_0 = arith.muli %arg0, %mul3A : i32
    %add3A = arith.addi %mul3A_0, %arg1 : i32
    %mul3A_1 = arith.constant 632 : i32
    %mul3A_2 = arith.muli %arg1, %mul3A_1 : i32
    "tpu.region"() ({
      %run_scoped3A = tpu.sem_alloc : memref<!tpu.dma_semaphore, #tpu.memory_space<semaphore_mem>>
      %dma_start3A = arith.constant 0 : i32
      %dma_start3A_9 = tpu.memref_slice %arg10[%mul3A_2, %dma_start3A] : memref<10112x48xf32, #tpu.memory_space<vmem_shared>> -> memref<632x48xf32, #tpu.memory_space<vmem_shared>>
      tpu.enqueue_dma source(%arg5 : memref<632x48xf32, #tpu.memory_space<hbm>>) target(%dma_start3A_9 : memref<632x48xf32, #tpu.memory_space<vmem_shared>>) target_semaphore(%run_scoped3A : memref<!tpu.dma_semaphore, #tpu.memory_space<semaphore_mem>>)
      %dma_wait3A = arith.constant 0 : i32
      %dma_wait3A_10 = tpu.memref_slice %arg10[%mul3A_2, %dma_wait3A] : memref<10112x48xf32, #tpu.memory_space<vmem_shared>> -> memref<632x48xf32, #tpu.memory_space<vmem_shared>>
      tpu.wait_dma2 semaphore(%run_scoped3A : memref<!tpu.dma_semaphore, #tpu.memory_space<semaphore_mem>>) src(%arg5 : memref<632x48xf32, #tpu.memory_space<hbm>>) dst(%dma_wait3A_10 : memref<632x48xf32, #tpu.memory_space<vmem_shared>>)
      tpu.yield
    }) : () -> ()
    "tpu.region"() ({
      %run_scoped3A = tpu.sem_alloc : memref<!tpu.dma_semaphore, #tpu.memory_space<semaphore_mem>>
      %dma_start3A = arith.constant 0 : i32
      %dma_start3A_9 = arith.constant 0 : i32
      %dma_start3A_10 = tpu.memref_slice %arg3[%add3A, %dma_start3A, %dma_start3A_9] : memref<32x125x80xi32, #tpu.memory_space<hbm>> -> memref<1x125x80xi32, #tpu.memory_space<hbm>>
      %dma_start3A_11 = tpu.memref_squeeze %dma_start3A_10 : memref<1x125x80xi32, #tpu.memory_space<hbm>> -> memref<125x80xi32, #tpu.memory_space<hbm>>
      %dma_start3A_12 = arith.constant 0 : i32
      %dma_start3A_13 = arith.constant 0 : i32
      %dma_start3A_14 = tpu.memref_slice %arg3[%add3A, %dma_start3A_12, %dma_start3A_13] : memref<32x125x80xi32, #tpu.memory_space<hbm>> -> memref<1x125x80xi32, #tpu.memory_space<hbm>>
      %dma_start3A_15 = tpu.memref_squeeze %dma_start3A_14 : memref<1x125x80xi32, #tpu.memory_space<hbm>> -> memref<125x80xi32, #tpu.memory_space<hbm>>
      tpu.enqueue_dma source(%dma_start3A_15 : memref<125x80xi32, #tpu.memory_space<hbm>>) target(%arg7 : memref<125x80xi32, #tpu.memory_space<vmem>>) target_semaphore(%run_scoped3A : memref<!tpu.dma_semaphore, #tpu.memory_space<semaphore_mem>>)
      %dma_wait3A = arith.constant 0 : i32
      %dma_wait3A_16 = arith.constant 0 : i32
      %dma_wait3A_17 = tpu.memref_slice %arg3[%add3A, %dma_wait3A, %dma_wait3A_16] : memref<32x125x80xi32, #tpu.memory_space<hbm>> -> memref<1x125x80xi32, #tpu.memory_space<hbm>>
      %dma_wait3A_18 = tpu.memref_squeeze %dma_wait3A_17 : memref<1x125x80xi32, #tpu.memory_space<hbm>> -> memref<125x80xi32, #tpu.memory_space<hbm>>
      %dma_wait3A_19 = arith.constant 0 : i32
      %dma_wait3A_20 = arith.constant 0 : i32
      %dma_wait3A_21 = tpu.memref_slice %arg3[%add3A, %dma_wait3A_19, %dma_wait3A_20] : memref<32x125x80xi32, #tpu.memory_space<hbm>> -> memref<1x125x80xi32, #tpu.memory_space<hbm>>
      %dma_wait3A_22 = tpu.memref_squeeze %dma_wait3A_21 : memref<1x125x80xi32, #tpu.memory_space<hbm>> -> memref<125x80xi32, #tpu.memory_space<hbm>>
      tpu.wait_dma2 semaphore(%run_scoped3A : memref<!tpu.dma_semaphore, #tpu.memory_space<semaphore_mem>>) src(%dma_wait3A_22 : memref<125x80xi32, #tpu.memory_space<hbm>>) dst(%arg7 : memref<125x80xi32, #tpu.memory_space<vmem>>)
      tpu.yield
    }) : () -> ()
    "tpu.region"() ({
      %run_scoped3A = tpu.sem_alloc : memref<!tpu.dma_semaphore, #tpu.memory_space<semaphore_mem>>
      %dma_start3A = arith.constant 0 : i32
      %dma_start3A_9 = arith.constant 0 : i32
      %dma_start3A_10 = tpu.memref_slice %arg4[%add3A, %dma_start3A, %dma_start3A_9] : memref<32x125x80xi32, #tpu.memory_space<hbm>> -> memref<1x125x80xi32, #tpu.memory_space<hbm>>
      %dma_start3A_11 = tpu.memref_squeeze %dma_start3A_10 : memref<1x125x80xi32, #tpu.memory_space<hbm>> -> memref<125x80xi32, #tpu.memory_space<hbm>>
      %dma_start3A_12 = arith.constant 0 : i32
      %dma_start3A_13 = arith.constant 0 : i32
      %dma_start3A_14 = tpu.memref_slice %arg4[%add3A, %dma_start3A_12, %dma_start3A_13] : memref<32x125x80xi32, #tpu.memory_space<hbm>> -> memref<1x125x80xi32, #tpu.memory_space<hbm>>
      %dma_start3A_15 = tpu.memref_squeeze %dma_start3A_14 : memref<1x125x80xi32, #tpu.memory_space<hbm>> -> memref<125x80xi32, #tpu.memory_space<hbm>>
      tpu.enqueue_dma source(%dma_start3A_15 : memref<125x80xi32, #tpu.memory_space<hbm>>) target(%arg8 : memref<125x80xi32, #tpu.memory_space<vmem>>) target_semaphore(%run_scoped3A : memref<!tpu.dma_semaphore, #tpu.memory_space<semaphore_mem>>)
      %dma_wait3A = arith.constant 0 : i32
      %dma_wait3A_16 = arith.constant 0 : i32
      %dma_wait3A_17 = tpu.memref_slice %arg4[%add3A, %dma_wait3A, %dma_wait3A_16] : memref<32x125x80xi32, #tpu.memory_space<hbm>> -> memref<1x125x80xi32, #tpu.memory_space<hbm>>
      %dma_wait3A_18 = tpu.memref_squeeze %dma_wait3A_17 : memref<1x125x80xi32, #tpu.memory_space<hbm>> -> memref<125x80xi32, #tpu.memory_space<hbm>>
      %dma_wait3A_19 = arith.constant 0 : i32
      %dma_wait3A_20 = arith.constant 0 : i32
      %dma_wait3A_21 = tpu.memref_slice %arg4[%add3A, %dma_wait3A_19, %dma_wait3A_20] : memref<32x125x80xi32, #tpu.memory_space<hbm>> -> memref<1x125x80xi32, #tpu.memory_space<hbm>>
      %dma_wait3A_22 = tpu.memref_squeeze %dma_wait3A_21 : memref<1x125x80xi32, #tpu.memory_space<hbm>> -> memref<125x80xi32, #tpu.memory_space<hbm>>
      tpu.wait_dma2 semaphore(%run_scoped3A : memref<!tpu.dma_semaphore, #tpu.memory_space<semaphore_mem>>) src(%dma_wait3A_22 : memref<125x80xi32, #tpu.memory_space<hbm>>) dst(%arg8 : memref<125x80xi32, #tpu.memory_space<vmem>>)
      tpu.yield
    }) : () -> ()
    %barrier3A = arith.constant 0 : index
    tpu.barrier barrier_id(%barrier3A)
    %scan3A = arith.constant 0 : i32
    %scan3A_3 = arith.constant 0 : i32
    %scan3A_4 = arith.constant 125 : i32
    %scan3A_5 = arith.addi %scan3A_3, %scan3A_4 : i32
    %scan3A_6 = arith.constant 1 : i32
    scf.for %scan3A_9 = %scan3A_3 to %scan3A_5 step %scan3A_6  : i32 {
      %dma_start3A = arith.constant 0 : i32
      %dma_start3A_10 = tpu.memref_slice %arg7[%scan3A_9, %dma_start3A] : memref<125x80xi32, #tpu.memory_space<vmem>> -> memref<1x80xi32, #tpu.memory_space<vmem>>
      %dma_start3A_11 = tpu.memref_squeeze %dma_start3A_10 : memref<1x80xi32, #tpu.memory_space<vmem>> -> memref<80xi32, #tpu.memory_space<vmem>>
      %dma_start3A_12 = arith.constant 0 : i32
      %dma_start3A_13 = arith.constant 0 : i32
      %dma_start3A_14 = tpu.memref_slice %arg2[%dma_start3A_12, %dma_start3A_13] : memref<10000x48xf32, #tpu.memory_space<hbm>> -> memref<10000x48xf32, #tpu.memory_space<hbm>>
      tpu.enqueue_indirect_dma source(%dma_start3A_14 : memref<10000x48xf32, #tpu.memory_space<hbm>>) target(%arg9 : memref<80x48xf32, #tpu.memory_space<vmem>>) offsets(%dma_start3A_11 : memref<80xi32, #tpu.memory_space<vmem>>) semaphore(%arg11 : memref<!tpu.dma_semaphore, #tpu.memory_space<semaphore_mem>>)
      %dma_wait3A = arith.constant 0 : i32
      %dma_wait3A_15 = tpu.memref_slice %arg7[%scan3A_9, %dma_wait3A] : memref<125x80xi32, #tpu.memory_space<vmem>> -> memref<1x80xi32, #tpu.memory_space<vmem>>
      %dma_wait3A_16 = tpu.memref_squeeze %dma_wait3A_15 : memref<1x80xi32, #tpu.memory_space<vmem>> -> memref<80xi32, #tpu.memory_space<vmem>>
      %dma_wait3A_17 = arith.constant 0 : i32
      %dma_wait3A_18 = arith.constant 0 : i32
      %dma_wait3A_19 = tpu.memref_slice %arg2[%dma_wait3A_17, %dma_wait3A_18] : memref<10000x48xf32, #tpu.memory_space<hbm>> -> memref<10000x48xf32, #tpu.memory_space<hbm>>
      tpu.wait_indirect_dma semaphore(%arg11 : memref<!tpu.dma_semaphore, #tpu.memory_space<semaphore_mem>>) src(%dma_wait3A_19 : memref<10000x48xf32, #tpu.memory_space<hbm>>) dst(%arg9 : memref<80x48xf32, #tpu.memory_space<vmem>>)
      "tpu.region"() ({
        %run_scoped3A = tpu.sem_alloc : memref<!tpu.dma_semaphore, #tpu.memory_space<semaphore_mem>>
        %dma_start3A_20 = arith.constant 0 : i32
        %dma_start3A_21 = tpu.memref_slice %arg8[%scan3A_9, %dma_start3A_20] : memref<125x80xi32, #tpu.memory_space<vmem>> -> memref<1x80xi32, #tpu.memory_space<vmem>>
        %dma_start3A_22 = tpu.memref_squeeze %dma_start3A_21 : memref<1x80xi32, #tpu.memory_space<vmem>> -> memref<80xi32, #tpu.memory_space<vmem>>
        %dma_start3A_23 = arith.constant 0 : i32
        %dma_start3A_24 = arith.constant 0 : i32
        %dma_start3A_25 = tpu.memref_slice %arg10[%dma_start3A_23, %dma_start3A_24] : memref<10112x48xf32, #tpu.memory_space<vmem_shared>> -> memref<10112x48xf32, #tpu.memory_space<vmem_shared>>
        tpu.enqueue_indirect_dma source(%arg9 : memref<80x48xf32, #tpu.memory_space<vmem>>) target(%dma_start3A_25 : memref<10112x48xf32, #tpu.memory_space<vmem_shared>>) offsets(%dma_start3A_22 : memref<80xi32, #tpu.memory_space<vmem>>) semaphore(%run_scoped3A : memref<!tpu.dma_semaphore, #tpu.memory_space<semaphore_mem>>) {add = true}
        %dma_wait3A_26 = arith.constant 0 : i32
        %dma_wait3A_27 = tpu.memref_slice %arg8[%scan3A_9, %dma_wait3A_26] : memref<125x80xi32, #tpu.memory_space<vmem>> -> memref<1x80xi32, #tpu.memory_space<vmem>>
        %dma_wait3A_28 = tpu.memref_squeeze %dma_wait3A_27 : memref<1x80xi32, #tpu.memory_space<vmem>> -> memref<80xi32, #tpu.memory_space<vmem>>
        %dma_wait3A_29 = arith.constant 0 : i32
        %dma_wait3A_30 = arith.constant 0 : i32
        %dma_wait3A_31 = tpu.memref_slice %arg10[%dma_wait3A_29, %dma_wait3A_30] : memref<10112x48xf32, #tpu.memory_space<vmem_shared>> -> memref<10112x48xf32, #tpu.memory_space<vmem_shared>>
        tpu.wait_indirect_dma semaphore(%run_scoped3A : memref<!tpu.dma_semaphore, #tpu.memory_space<semaphore_mem>>) src(%arg9 : memref<80x48xf32, #tpu.memory_space<vmem>>) dst(%dma_wait3A_31 : memref<10112x48xf32, #tpu.memory_space<vmem_shared>>)
        tpu.yield
      }) : () -> ()
    }
    %scan3A_7 = arith.constant 125 : i32
    %barrier3A_8 = arith.constant 0 : index
    tpu.barrier barrier_id(%barrier3A_8)
    "tpu.region"() ({
      %run_scoped3A = tpu.sem_alloc : memref<!tpu.dma_semaphore, #tpu.memory_space<semaphore_mem>>
      %dma_start3A = arith.constant 0 : i32
      %dma_start3A_9 = tpu.memref_slice %arg6[%arg0, %mul3A_2, %dma_start3A] : memref<2x10112x48xf32, #tpu.memory_space<hbm>> -> memref<1x632x48xf32, #tpu.memory_space<hbm>>
      %dma_start3A_10 = tpu.memref_squeeze %dma_start3A_9 : memref<1x632x48xf32, #tpu.memory_space<hbm>> -> memref<632x48xf32, #tpu.memory_space<hbm>>
      %dma_start3A_11 = arith.constant 0 : i32
      %dma_start3A_12 = tpu.memref_slice %arg10[%mul3A_2, %dma_start3A_11] : memref<10112x48xf32, #tpu.memory_space<vmem_shared>> -> memref<632x48xf32, #tpu.memory_space<vmem_shared>>
      tpu.enqueue_dma source(%dma_start3A_12 : memref<632x48xf32, #tpu.memory_space<vmem_shared>>) target(%dma_start3A_10 : memref<632x48xf32, #tpu.memory_space<hbm>>) target_semaphore(%run_scoped3A : memref<!tpu.dma_semaphore, #tpu.memory_space<semaphore_mem>>)
      %dma_wait3A = arith.constant 0 : i32
      %dma_wait3A_13 = tpu.memref_slice %arg6[%arg0, %mul3A_2, %dma_wait3A] : memref<2x10112x48xf32, #tpu.memory_space<hbm>> -> memref<1x632x48xf32, #tpu.memory_space<hbm>>
      %dma_wait3A_14 = tpu.memref_squeeze %dma_wait3A_13 : memref<1x632x48xf32, #tpu.memory_space<hbm>> -> memref<632x48xf32, #tpu.memory_space<hbm>>
      %dma_wait3A_15 = arith.constant 0 : i32
      %dma_wait3A_16 = tpu.memref_slice %arg10[%mul3A_2, %dma_wait3A_15] : memref<10112x48xf32, #tpu.memory_space<vmem_shared>> -> memref<632x48xf32, #tpu.memory_space<vmem_shared>>
      tpu.wait_dma2 semaphore(%run_scoped3A : memref<!tpu.dma_semaphore, #tpu.memory_space<semaphore_mem>>) src(%dma_wait3A_16 : memref<632x48xf32, #tpu.memory_space<vmem_shared>>) dst(%dma_wait3A_14 : memref<632x48xf32, #tpu.memory_space<hbm>>)
      tpu.yield
    }) : () -> ()
    return
  }
}

module attributes {stable_mosaic.version = 14 : i64} {
  func.func @_dense1_body(%arg0: i32, %arg1: memref<1000x128xf32, #tpu.memory_space<vmem>>, %arg2: memref<1000x144xf32, #tpu.memory_space<vmem>>, %arg3: memref<1000x144xf32, #tpu.memory_space<vmem>>, %arg4: memref<128x256xf32, #tpu.memory_space<vmem>>, %arg5: memref<1x256xf32, #tpu.memory_space<vmem>>, %arg6: memref<128x256xf32, #tpu.memory_space<vmem>>, %arg7: memref<256x48xf32, #tpu.memory_space<vmem>>, %arg8: memref<1000x256xf32, #tpu.memory_space<vmem>>, %arg9: memref<1000x48xf32, #tpu.memory_space<vmem>>) attributes {dimension_semantics = [#tpu.dimension_semantics<arbitrary>], iteration_bounds = array<i64: 10>, scalar_prefetch = 0 : i64, scratch_operands = 0 : i64, tpu.core_type = #tpu.core_type<tc>, window_params = [{transform_indices = @transform_0, window_bounds = array<i64: 1000, 128>}, {transform_indices = @transform_1, window_bounds = array<i64: 1000, 144>}, {transform_indices = @transform_2, window_bounds = array<i64: 1000, 144>}, {pipeline_mode = #tpu.pipeline_mode<synchronous>, transform_indices = @transform_3, window_bounds = array<i64: 128, 256>}, {pipeline_mode = #tpu.pipeline_mode<synchronous>, transform_indices = @transform_4, window_bounds = array<i64: 1, 256>}, {pipeline_mode = #tpu.pipeline_mode<synchronous>, transform_indices = @transform_5, window_bounds = array<i64: 128, 256>}, {pipeline_mode = #tpu.pipeline_mode<synchronous>, transform_indices = @transform_6, window_bounds = array<i64: 256, 48>}, {transform_indices = @transform_7, window_bounds = array<i64: 1000, 256>}, {transform_indices = @transform_8, window_bounds = array<i64: 1000, 48>}]} {
    %get3A = arith.constant 0 : index
    %get3A_0 = arith.constant 0 : index
    %get3A_1 = vector.load %arg2[%get3A, %get3A_0] : memref<1000x144xf32, #tpu.memory_space<vmem>>, vector<1000x144xf32>
    %get3A_2 = arith.constant 0 : index
    %get3A_3 = arith.constant 0 : index
    %get3A_4 = vector.load %arg3[%get3A_2, %get3A_3] : memref<1000x144xf32, #tpu.memory_space<vmem>>, vector<1000x144xf32>
    %add3A = arith.addf %get3A_1, %get3A_4 : vector<1000x144xf32>
    %slice3A = vector.extract_strided_slice %add3A {offsets = [0, 128], sizes = [1000, 1], strides = [1, 1]} : vector<1000x144xf32> to vector<1000x1xf32>
    %max3A = arith.constant 1.000000e+00 : f32
    %max3A_5 = vector.broadcast %max3A : f32 to vector<1000x1xf32>
    %max3A_6 = arith.maximumf %slice3A, %max3A_5 : vector<1000x1xf32>
    %slice3A_7 = vector.extract_strided_slice %add3A {offsets = [0, 0], sizes = [1000, 128], strides = [1, 1]} : vector<1000x144xf32> to vector<1000x128xf32>
    %div3A = vector.broadcast %max3A_6 : vector<1000x1xf32> to vector<1000x128xf32>
    %div3A_8 = arith.divf %slice3A_7, %div3A : vector<1000x128xf32>
    %get3A_9 = arith.constant 0 : index
    %get3A_10 = arith.constant 0 : index
    %get3A_11 = vector.load %arg4[%get3A_9, %get3A_10] : memref<128x256xf32, #tpu.memory_space<vmem>>, vector<128x256xf32>
    %dot_general3A = arith.constant dense<0.000000e+00> : vector<1000x256xf32>
    %dot_general3A_12 = tpu.matmul %div3A_8, %get3A_11, %dot_general3A {dimension_numbers = #tpu.dot_dimension_numbers<[1], [0], [0], [1], [0, 0, 1, 1], [], []>, precision = #tpu.contract_precision<fp32>, transpose_lhs_hint = false} : vector<1000x128xf32>, vector<128x256xf32>, vector<1000x256xf32> -> vector<1000x256xf32>
    %get3A_13 = arith.constant 0 : index
    %get3A_14 = arith.constant 0 : index
    %get3A_15 = vector.load %arg1[%get3A_13, %get3A_14] : memref<1000x128xf32, #tpu.memory_space<vmem>>, vector<1000x128xf32>
    %get3A_16 = arith.constant 0 : index
    %get3A_17 = arith.constant 0 : index
    %get3A_18 = vector.load %arg6[%get3A_16, %get3A_17] : memref<128x256xf32, #tpu.memory_space<vmem>>, vector<128x256xf32>
    %dot_general3A_19 = arith.constant dense<0.000000e+00> : vector<1000x256xf32>
    %dot_general3A_20 = tpu.matmul %get3A_15, %get3A_18, %dot_general3A_19 {dimension_numbers = #tpu.dot_dimension_numbers<[1], [0], [0], [1], [0, 0, 1, 1], [], []>, precision = #tpu.contract_precision<fp32>, transpose_lhs_hint = false} : vector<1000x128xf32>, vector<128x256xf32>, vector<1000x256xf32> -> vector<1000x256xf32>
    %add3A_21 = arith.addf %dot_general3A_12, %dot_general3A_20 : vector<1000x256xf32>
    %get3A_22 = arith.constant 0 : index
    %get3A_23 = arith.constant 0 : index
    %get3A_24 = vector.load %arg5[%get3A_22, %get3A_23] : memref<1x256xf32, #tpu.memory_space<vmem>>, vector<1x256xf32>
    %add3A_25 = vector.broadcast %get3A_24 : vector<1x256xf32> to vector<1000x256xf32>
    %add3A_26 = arith.addf %add3A_21, %add3A_25 : vector<1000x256xf32>
    %max3A_27 = arith.constant 0.000000e+00 : f32
    %max3A_28 = vector.broadcast %max3A_27 : f32 to vector<1000x256xf32>
    %max3A_29 = arith.maximumf %add3A_26, %max3A_28 : vector<1000x256xf32>
    %swap3A = arith.constant 0 : index
    %swap3A_30 = arith.constant 0 : index
    %swap3A_31 = vector.load %arg8[%swap3A, %swap3A_30] : memref<1000x256xf32, #tpu.memory_space<vmem>>, vector<1000x256xf32>
    tpu.vector_store %arg8[%swap3A, %swap3A_30], %max3A_29 {strides = array<i32>} : memref<1000x256xf32, #tpu.memory_space<vmem>>, vector<1000x256xf32>,
    %get3A_32 = arith.constant 0 : index
    %get3A_33 = arith.constant 0 : index
    %get3A_34 = vector.load %arg7[%get3A_32, %get3A_33] : memref<256x48xf32, #tpu.memory_space<vmem>>, vector<256x48xf32>
    %dot_general3A_35 = arith.constant dense<0.000000e+00> : vector<1000x48xf32>
    %dot_general3A_36 = tpu.matmul %max3A_29, %get3A_34, %dot_general3A_35 {dimension_numbers = #tpu.dot_dimension_numbers<[1], [0], [0], [1], [0, 0, 1, 1], [], []>, precision = #tpu.contract_precision<fp32>, transpose_lhs_hint = false} : vector<1000x256xf32>, vector<256x48xf32>, vector<1000x48xf32> -> vector<1000x48xf32>
    %swap3A_37 = arith.constant 0 : index
    %swap3A_38 = arith.constant 0 : index
    %swap3A_39 = vector.load %arg9[%swap3A_37, %swap3A_38] : memref<1000x48xf32, #tpu.memory_space<vmem>>, vector<1000x48xf32>
    tpu.vector_store %arg9[%swap3A_37, %swap3A_38], %dot_general3A_36 {strides = array<i32>} : memref<1000x48xf32, #tpu.memory_space<vmem>>, vector<1000x48xf32>,
    return
  }
  func.func @transform_0(%arg0: i32) -> (i32, i32) {
    %c0_i32 = arith.constant 0 : i32
    %c0_i32_0 = arith.constant 0 : i32
    return %arg0, %c0_i32 : i32, i32
  }
  func.func @transform_1(%arg0: i32) -> (i32, i32) {
    %c0_i32 = arith.constant 0 : i32
    %c0_i32_0 = arith.constant 0 : i32
    return %arg0, %c0_i32 : i32, i32
  }
  func.func @transform_2(%arg0: i32) -> (i32, i32) {
    %c0_i32 = arith.constant 0 : i32
    %c0_i32_0 = arith.constant 0 : i32
    return %arg0, %c0_i32 : i32, i32
  }
  func.func @transform_3(%arg0: i32) -> (i32, i32) {
    %c0_i32 = arith.constant 0 : i32
    %c0_i32_0 = arith.constant 0 : i32
    %c0_i32_1 = arith.constant 0 : i32
    return %c0_i32, %c0_i32_0 : i32, i32
  }
  func.func @transform_4(%arg0: i32) -> (i32, i32) {
    %c0_i32 = arith.constant 0 : i32
    %c0_i32_0 = arith.constant 0 : i32
    %c0_i32_1 = arith.constant 0 : i32
    return %c0_i32, %c0_i32_0 : i32, i32
  }
  func.func @transform_5(%arg0: i32) -> (i32, i32) {
    %c0_i32 = arith.constant 0 : i32
    %c0_i32_0 = arith.constant 0 : i32
    %c0_i32_1 = arith.constant 0 : i32
    return %c0_i32, %c0_i32_0 : i32, i32
  }
  func.func @transform_6(%arg0: i32) -> (i32, i32) {
    %c0_i32 = arith.constant 0 : i32
    %c0_i32_0 = arith.constant 0 : i32
    %c0_i32_1 = arith.constant 0 : i32
    return %c0_i32, %c0_i32_0 : i32, i32
  }
  func.func @transform_7(%arg0: i32) -> (i32, i32) {
    %c0_i32 = arith.constant 0 : i32
    %c0_i32_0 = arith.constant 0 : i32
    return %arg0, %c0_i32 : i32, i32
  }
  func.func @transform_8(%arg0: i32) -> (i32, i32) {
    %c0_i32 = arith.constant 0 : i32
    %c0_i32_0 = arith.constant 0 : i32
    return %arg0, %c0_i32 : i32, i32
  }
}

module attributes {stable_mosaic.version = 14 : i64} {
  func.func @_dense2_body(%arg0: i32, %arg1: memref<1000x48xf32, #tpu.memory_space<vmem>>, %arg2: memref<1000x48xf32, #tpu.memory_space<vmem>>, %arg3: memref<1000x256xf32, #tpu.memory_space<vmem>>, %arg4: memref<1000x8xf32, #tpu.memory_space<vmem>>, %arg5: memref<1000x8xf32, #tpu.memory_space<vmem>>, %arg6: memref<256x42xf32, #tpu.memory_space<vmem>>, %arg7: memref<1x42xf32, #tpu.memory_space<vmem>>, %arg8: memref<1000x42xf32, #tpu.memory_space<vmem>>) attributes {dimension_semantics = [#tpu.dimension_semantics<arbitrary>], iteration_bounds = array<i64: 10>, scalar_prefetch = 0 : i64, scratch_operands = 0 : i64, tpu.core_type = #tpu.core_type<tc>, window_params = [{transform_indices = @transform_0, window_bounds = array<i64: 1000, 48>}, {transform_indices = @transform_1, window_bounds = array<i64: 1000, 48>}, {transform_indices = @transform_2, window_bounds = array<i64: 1000, 256>}, {transform_indices = @transform_3, window_bounds = array<i64: 1000, 8>}, {transform_indices = @transform_4, window_bounds = array<i64: 1000, 8>}, {pipeline_mode = #tpu.pipeline_mode<synchronous>, transform_indices = @transform_5, window_bounds = array<i64: 256, 42>}, {pipeline_mode = #tpu.pipeline_mode<synchronous>, transform_indices = @transform_6, window_bounds = array<i64: 1, 42>}, {transform_indices = @transform_7, window_bounds = array<i64: 1000, 42>}]} {
    %get3A = arith.constant 0 : index
    %get3A_0 = arith.constant 0 : index
    %get3A_1 = vector.load %arg1[%get3A, %get3A_0] : memref<1000x48xf32, #tpu.memory_space<vmem>>, vector<1000x42xf32>
    %get3A_2 = arith.constant 0 : index
    %get3A_3 = arith.constant 0 : index
    %get3A_4 = vector.load %arg2[%get3A_2, %get3A_3] : memref<1000x48xf32, #tpu.memory_space<vmem>>, vector<1000x42xf32>
    %add3A = arith.addf %get3A_1, %get3A_4 : vector<1000x42xf32>
    %get3A_5 = arith.constant 0 : index
    %get3A_6 = arith.constant 0 : index
    %get3A_7 = vector.load %arg4[%get3A_5, %get3A_6] : memref<1000x8xf32, #tpu.memory_space<vmem>>, vector<1000x1xf32>
    %get3A_8 = arith.constant 0 : index
    %get3A_9 = arith.constant 0 : index
    %get3A_10 = vector.load %arg5[%get3A_8, %get3A_9] : memref<1000x8xf32, #tpu.memory_space<vmem>>, vector<1000x1xf32>
    %add3A_11 = arith.addf %get3A_7, %get3A_10 : vector<1000x1xf32>
    %max3A = arith.constant 1.000000e+00 : f32
    %max3A_12 = vector.broadcast %max3A : f32 to vector<1000x1xf32>
    %max3A_13 = arith.maximumf %add3A_11, %max3A_12 : vector<1000x1xf32>
    %div3A = vector.broadcast %max3A_13 : vector<1000x1xf32> to vector<1000x42xf32>
    %div3A_14 = arith.divf %add3A, %div3A : vector<1000x42xf32>
    %get3A_15 = arith.constant 0 : index
    %get3A_16 = arith.constant 0 : index
    %get3A_17 = vector.load %arg7[%get3A_15, %get3A_16] : memref<1x42xf32, #tpu.memory_space<vmem>>, vector<1x42xf32>
    %add3A_18 = vector.broadcast %get3A_17 : vector<1x42xf32> to vector<1000x42xf32>
    %add3A_19 = arith.addf %div3A_14, %add3A_18 : vector<1000x42xf32>
    %get3A_20 = arith.constant 0 : index
    %get3A_21 = arith.constant 0 : index
    %get3A_22 = vector.load %arg3[%get3A_20, %get3A_21] : memref<1000x256xf32, #tpu.memory_space<vmem>>, vector<1000x256xf32>
    %get3A_23 = arith.constant 0 : index
    %get3A_24 = arith.constant 0 : index
    %get3A_25 = vector.load %arg6[%get3A_23, %get3A_24] : memref<256x42xf32, #tpu.memory_space<vmem>>, vector<256x42xf32>
    %dot_general3A = arith.constant dense<0.000000e+00> : vector<1000x42xf32>
    %dot_general3A_26 = tpu.matmul %get3A_22, %get3A_25, %dot_general3A {dimension_numbers = #tpu.dot_dimension_numbers<[1], [0], [0], [1], [0, 0, 1, 1], [], []>, precision = #tpu.contract_precision<fp32>, transpose_lhs_hint = false} : vector<1000x256xf32>, vector<256x42xf32>, vector<1000x42xf32> -> vector<1000x42xf32>
    %add3A_27 = arith.addf %add3A_19, %dot_general3A_26 : vector<1000x42xf32>
    %reduce_max3A = arith.constant dense<0xFF800000> : vector<1000xf32>
    %reduce_max3A_28 = vector.multi_reduction <maximumf>, %add3A_27, %reduce_max3A [1] : vector<1000x42xf32> to vector<1000xf32>
    %broadcast_in_dim3A = vector.shape_cast %reduce_max3A_28 : vector<1000xf32> to vector<1000x1xf32>
    %sub3A = vector.broadcast %broadcast_in_dim3A : vector<1000x1xf32> to vector<1000x42xf32>
    %sub3A_29 = arith.subf %add3A_27, %sub3A : vector<1000x42xf32>
    %exp3A = math.exp %sub3A_29 : vector<1000x42xf32>
    %reduce_sum3A = arith.constant dense<0.000000e+00> : vector<1000xf32>
    %reduce_sum3A_30 = vector.multi_reduction <add>, %exp3A, %reduce_sum3A [1] : vector<1000x42xf32> to vector<1000xf32>
    %broadcast_in_dim3A_31 = vector.shape_cast %reduce_sum3A_30 : vector<1000xf32> to vector<1000x1xf32>
    %log3A = math.log %broadcast_in_dim3A_31 : vector<1000x1xf32>
    %sub3A_32 = vector.broadcast %log3A : vector<1000x1xf32> to vector<1000x42xf32>
    %sub3A_33 = arith.subf %sub3A_29, %sub3A_32 : vector<1000x42xf32>
    %swap3A = arith.constant 0 : index
    %swap3A_34 = arith.constant 0 : index
    %swap3A_35 = vector.load %arg8[%swap3A, %swap3A_34] : memref<1000x42xf32, #tpu.memory_space<vmem>>, vector<1000x42xf32>
    tpu.vector_store %arg8[%swap3A, %swap3A_34], %sub3A_33 {strides = array<i32>} : memref<1000x42xf32, #tpu.memory_space<vmem>>, vector<1000x42xf32>,
    return
  }
  func.func @transform_0(%arg0: i32) -> (i32, i32) {
    %c0_i32 = arith.constant 0 : i32
    %c0_i32_0 = arith.constant 0 : i32
    return %arg0, %c0_i32 : i32, i32
  }
  func.func @transform_1(%arg0: i32) -> (i32, i32) {
    %c0_i32 = arith.constant 0 : i32
    %c0_i32_0 = arith.constant 0 : i32
    return %arg0, %c0_i32 : i32, i32
  }
  func.func @transform_2(%arg0: i32) -> (i32, i32) {
    %c0_i32 = arith.constant 0 : i32
    %c0_i32_0 = arith.constant 0 : i32
    return %arg0, %c0_i32 : i32, i32
  }
  func.func @transform_3(%arg0: i32) -> (i32, i32) {
    %c0_i32 = arith.constant 0 : i32
    %c0_i32_0 = arith.constant 0 : i32
    return %arg0, %c0_i32 : i32, i32
  }
  func.func @transform_4(%arg0: i32) -> (i32, i32) {
    %c0_i32 = arith.constant 0 : i32
    %c0_i32_0 = arith.constant 0 : i32
    return %arg0, %c0_i32 : i32, i32
  }
  func.func @transform_5(%arg0: i32) -> (i32, i32) {
    %c0_i32 = arith.constant 0 : i32
    %c0_i32_0 = arith.constant 0 : i32
    %c0_i32_1 = arith.constant 0 : i32
    return %c0_i32, %c0_i32_0 : i32, i32
  }
  func.func @transform_6(%arg0: i32) -> (i32, i32) {
    %c0_i32 = arith.constant 0 : i32
    %c0_i32_0 = arith.constant 0 : i32
    %c0_i32_1 = arith.constant 0 : i32
    return %c0_i32, %c0_i32_0 : i32, i32
  }
  func.func @transform_7(%arg0: i32) -> (i32, i32) {
    %c0_i32 = arith.constant 0 : i32
    %c0_i32_0 = arith.constant 0 : i32
    return %arg0, %c0_i32 : i32, i32
  }
}

</mosaic_0001>

<sc_bundles>
// kernel: kernel.6.cloned.1.call-start
scs
__scs_entry_jumppad:
0x0: {  	(pc) =	sbr.rel $0x88, $3  }
0x1: {  	(tag) =	ssettag $0x0;
	lr =	simm.s32 $0x1  }
0x2: {  	[smem:$0x3F99] =	sst lr;
	_ =	strace $0xD0000000  }
0x3: {  	_ = 	snop  }
0x4: {  	_ = 	snop  }
0x5: {  	_ = 	snop  }
0x6: {  	_ = 	snop  }
0x7: {  	_ = 	snop  }
__scs_overlays_trampoline_lowered:
0x8: {  	[smem:$0x3FA8] =	sst s0  }
0x9: {  	[smem:$0x3FA9] =	sst s1  }
0xa: {  	[smem:$0x3FAA] =	sst s2  }
0xb: {  	[smem:$0x3FAB] =	sst s3  }
0xc: {  	[smem:$0x3FAC] =	sst s4  }
0xd: {  	[smem:$0x3FAD] =	sst s5  }
0xe: {  	[smem:$0x3FAE] =	sst s6  }
0xf: {  	[smem:$0x3FAF] =	sst s7  }
0x10: {  	[smem:$0x3FB0] =	sst s8  }
0x11: {  	[smem:$0x3FB1] =	sst s9;
	s0 =	simm.s32 @!p0 $0x0  }
0x12: {  	s1 =	sld [smem:$0x3F97];
	s0 =	simm.s32 @p0 $0x1  }
0x13: {  	[smem:$0x3FB2] =	sst s0;
	s0 =	simm.s32 @!p1 $0x0  }
0x14: {  	s2 =	sld [smem:$0x3F96];
	s0 =	simm.s32 @p1 $0x1  }
0x15: {  	[smem:$0x3FB3] =	sst s0;
	s0 =	simm.s32 @!p2 $0x0  }
0x16: {  	s3 =	sld [smem:$0x3FDB];
	s0 =	simm.s32 @p2 $0x1  }
0x17: {  	s4 =	simm.s32 $0x1BF5;
	[smem:$0x3FB5] =	sst s0  }
0x18: {  	s0 =	sld [smem:$0x3F98];
	_ =	swait.ge [sflag:s4], $0x0  }
0x19: {  	s7 =	sld [smem:$0x3F99]  }
0x1a: {  	s8 =	sadd.s32 $0xFFFFE003, lr  }
0x1b: {  	s9 =	sadd.s32 $0xFFFFFEF7, lr;
	s5 =	simm.s32 $0xFFFFFFFF;
	p2 =	slt.u32 s8, $0xFFFFF086  }
0x1c: {  	p1 =	slt.u32 s9, $0xF7A;
	s5 =	simm.s32 @!p2 $0x0  }
0x1d: {  	s5 =	simm.s32 @p1 $0x1;
	p0 =	seq.s32 s7, s2  }
0x1e: {  	s7 =	smul.u32 @!p0 $0xF7A, s2;
	p2 =	seq.s32 @!p0 s5, $0x0  }
0x1f: {  	s9 =	smul.u32 $0xF7A, s1;
	s8 =	simm.s32 @!p0 $0x1BF5;
	p2 =	por !p2, p0  }
0x20: {  	[sflag:s8] =	ssyncset.s32 @!p0 $0xFFFFF086;
	s6 =	sadd.s32 @!p0 s3, s7;
	s7 =	simm.s32 @!p0 $0x108  }
0x21: {  	s3 =	sadd.s32 s3, s9;
	s6 =	sadd.s32 @!p0 $0x88, s6;
	s7 =	simm.s32 @p2 $0x1082  }
0x22: {  	[simem:s7], [sflag:s8] =	dma.local @!p0 [hbm:s6], $0xF7A  }
0x23: {  	s9 =	sor.u32 $0xD0000000, s2;
	s6 =	simm.s32 $0x108;
	_ =	swait.ge @!p0 [sflag:s8], $0x0  }
0x24: {  	s3 =	sadd.s32 $0x88, s3;
	s6 =	simm.s32 @!p1 $0x1082;
	[sflag:s4] =	ssyncset.s32 $0xFFFFF086  }
0x25: {  	[simem:s6], [sflag:s4] =	dma.local [hbm:s3], $0xF7A  }
0x26: {  	[smem:$0x3F99] =	sst s1;
	(tag) =	ssettag s2;
	_ =	strace s9  }
0x27: {  	s1 =	sld [smem:$0x3FA9]  }
0x28: {  	s2 =	sld [smem:$0x3FAA]  }
0x29: {  	s4 =	sld [smem:$0x3FAC]  }
0x2a: {  	p0 =	seq.s32 s5, $0x0;
	s5 =	sld [smem:$0x3FAD]  }
0x2b: {  	s6 =	sld [smem:$0x3FAE]  }
0x2c: {  	s7 =	sld [smem:$0x3FAF]  }
0x2d: {  	s3 =	simm.s32 $0x108;
	s8 =	sld [smem:$0x3FB0]  }
0x2e: {  	s3 =	simm.s32 @!p0 $0x1082;
	s9 =	sld [smem:$0x3FB1]  }
0x2f: {  	lr =	sadd.s32 s0, s3;
	s0 =	sld [smem:$0x3FA8]  }
0x30: {  	s3 =	sld [smem:$0x3FAB]  }
0x31: {  	[smem:$0x3FB4] =	sst s10  }
0x32: {  	s10 =	sld [smem:$0x3FB2];
	_ =	sdelay $0x3  }
0x33: {  	p0 =	seq.s32 s10, $0x1;
	s10 =	sld [smem:$0x3FB4];
	_ =	sdelay $0x3  }
0x34: {  	[smem:$0x3FB4] =	sst s10  }
0x35: {  	s10 =	sld [smem:$0x3FB3];
	_ =	sdelay $0x3  }
0x36: {  	p1 =	seq.s32 s10, $0x1;
	s10 =	sld [smem:$0x3FB4];
	_ =	sdelay $0x3  }
0x37: {  	[smem:$0x3FB4] =	sst s10  }
0x38: {  	s10 =	sld [smem:$0x3FB5]  }
0x39: {  	_ = 	snop;
	(pc) =	sbr.ind lr, $3  }
0x3a: {  	_ = 	snop  }
0x3b: {  	_ = 	snop  }
0x3c: {  	p2 =	seq.s32 s10, $0x1;
	s10 =	sld [smem:$0x3FB4]  }
0x3d: {  	_ =	shalt  }
0x3e: {  	_ =	shalt  }
0x3f: {  	_ =	shalt  }
0x40: {  	_ =	shalt  }
0x41: {  	_ =	shalt  }
0x42: {  	_ =	shalt  }
0x43: {  	_ =	shalt  }
0x44: {  	_ =	shalt  }
0x45: {  	_ =	shalt  }
0x46: {  	_ =	shalt  }
0x47: {  	_ =	shalt  }
0x48: {  	_ =	shalt  }
0x49: {  	_ =	shalt  }
0x4a: {  	_ =	shalt  }
0x4b: {  	_ =	shalt  }
0x4c: {  	_ =	shalt  }
0x4d: {  	_ =	shalt  }
0x4e: {  	_ =	shalt  }
0x4f: {  	_ =	shalt  }
0x50: {  	_ =	shalt  }
0x51: {  	_ =	shalt  }
0x52: {  	_ =	shalt  }
0x53: {  	_ =	shalt  }
0x54: {  	_ =	shalt  }
0x55: {  	_ =	shalt  }
0x56: {  	_ =	shalt  }
0x57: {  	_ =	shalt  }
0x58: {  	_ =	shalt  }
0x59: {  	_ =	shalt  }
0x5a: {  	_ =	shalt  }
0x5b: {  	_ =	shalt  }
0x5c: {  	_ =	shalt  }
0x5d: {  	_ =	shalt  }
0x5e: {  	_ =	shalt  }
0x5f: {  	_ =	shalt  }
0x60: {  	_ =	shalt  }
0x61: {  	_ =	shalt  }
0x62: {  	_ =	shalt  }
0x63: {  	_ =	shalt  }
0x64: {  	_ =	shalt  }
0x65: {  	_ =	shalt  }
0x66: {  	_ =	shalt  }
0x67: {  	_ =	shalt  }
0x68: {  	_ =	shalt  }
0x69: {  	_ =	shalt  }
0x6a: {  	_ =	shalt  }
0x6b: {  	_ =	shalt  }
0x6c: {  	_ =	shalt  }
0x6d: {  	_ =	shalt  }
0x6e: {  	_ =	shalt  }
0x6f: {  	_ =	shalt  }
0x70: {  	_ =	shalt  }
0x71: {  	_ =	shalt  }
0x72: {  	_ =	shalt  }
0x73: {  	_ =	shalt  }
0x74: {  	_ =	shalt  }
0x75: {  	_ =	shalt  }
0x76: {  	_ =	shalt  }
0x77: {  	_ =	shalt  }
0x78: {  	_ =	shalt  }
0x79: {  	_ =	shalt  }
0x7a: {  	_ =	shalt  }
0x7b: {  	_ =	shalt  }
0x7c: {  	_ =	shalt  }
0x7d: {  	_ =	shalt  }
0x7e: {  	_ =	shalt  }
0x7f: {  	_ =	shalt  }
0x80: {  	_ =	shalt  }
0x81: {  	_ =	shalt  }
0x82: {  	_ =	shalt  }
0x83: {  	_ =	shalt  }
0x84: {  	_ =	shalt  }
0x85: {  	_ =	shalt  }
0x86: {  	_ =	shalt  }
0x87: {  	_ =	shalt  }
.Lfunc_end0:
.L_simem_size_0:
called_computation_lowered:
.L_overlay_start_0:
0x88: {  	s2 =	sld [smem:$0x3FD9]  }
0x89: {  	s3 =	sld [smem:$0x3FFE];
	_ =	sdelay $0x1  }
0x8a: {  	s1 =	srdreg.scid  }
0x8b: {  	s0 =	sand.u32 $0x1, s1  }
0x8c: {  	s17 =	sshll.u32 s0, $0xA;
	s2 =	sadd.s32 s3, s2  }
0x8d: {  	s2 =	sadd.s32 s2, s17  }
0x8e: {  	[smem:$0x3FC0] =	sst s2  }
0x8f: {  	_ = 	snop  }
0x90: {  	s2 =	sld [smem:$0x3FD0];
	(tm) =	ssettm $0x1  }
0x91: {  	s18 =	sld [smem:$0x3FFB];
	_ =	sdelay $0x3  }
0x92: {  	_ =	strace s18  }
0x93: {  	s3 =	sld [smem:$0x3FFC];
	_ =	sdelay $0x3  }
0x94: {  	_ =	strace s3  }
0x95: {  	s3 =	sld [smem:$0x3FFD];
	_ =	sdelay $0x3  }
0x96: {  	_ =	strace s3  }
0x97: {  	_ =	strace $0x8FFFFFFF  }
0x98: {  	s19 =	sld [smem:$0x3FDB];
	_ =	sdelay $0x1  }
0x99: {  	s4 =	simm.s32 $_scs_section_size  }
0x9a: {  	s5 =	simm.s32 $_size__tile_overlayer_lowered;
	s6 =	simm.s32 $_tile_overlayer_lowered  }
0x9b: {  	s22 =	simm.s32 $0x1BFF;
	s21 =	sshll.u32 s6, $0x1;
	s3 =	sadd.s32 s4, s19  }
0x9c: {  	s7 =	simm.s32 $0x0;
	s20 =	sshll.u32 s5, $0x1;
	s5 =	sadd.s32 s21, s3  }
0x9d: {  	[timem:s7], [sflag:s22] =	dma.local [hbm:s5], s20  }
0x9e: {  	_ =	swait.ge [sflag:s22], s20  }
0x9f: {  	s4 =	ssub.s32 $0x0, s20;
	[sflag:s22] =	ssyncset.done $0x0  }
0xa0: {  	[sflag:s22] =	ssyncadd.s32 s4;
	_ =	sdelay $0x1  }
0xa1: {  	s23 =	simm.s32 $0x1B8B  }
0xa2: {  	_ =	swait.ge [sflag:s23], $0x1  }
0xa3: {  	[sflag:s23] =	ssyncset.done $0x0  }
0xa4: {  	s25 =	simm.s32 $0x1B8E;
	s24 =	sld [smem:$0x3FFE];
	[sflag:s23] =	ssyncadd.s32 $0xFFFFFFFF  }
0xa5: {  	s26 =	simm.s32 $execute0_lowered;
	[smem:$0x3FD2] =	sst s25  }
0xa6: {  	s5 =	sshll.u32 s26, $0x1;
	_ =	strace $0x80000046;
	[dreg:$0x1] =	wrdreg $0xFFFFFFFF  }
0xa7: {  	s28 =	simm.s32 $_size_execute0_lowered;
	s3 =	sadd.s32 s3, s5;
	[dreg:$0x0] =	wrdreg $0x0  }
0xa8: {  	s5 =	sshll.u32 s28, $0x1;
	[dreg:$0x2] =	wrdreg s3  }
0xa9: {  	[dreg:$0x3] =	wrdreg s5  }
0xaa: {  	[dreg:$0x4] =	wrdreg $0xC0  }
0xab: {  	_ =	task [dreg:s7], $0x5FFFF  }
0xac: {  	[dreg:$0x1] =	wrdreg $0xFFFFFFFF  }
0xad: {  	[dreg:$0x0] =	wrdreg $0x60  }
0xae: {  	[dreg:$0x2] =	wrdreg s24  }
0xaf: {  	[dreg:$0x3] =	wrdreg s2  }
0xb0: {  	[dreg:$0x4] =	wrdreg $0x7B200  }
0xb1: {  	[dreg:$0x5] =	wrdreg $0x9  }
0xb2: {  	_ =	task.clear_ibuf [dreg:s7], $0x6FFFF;
	_ =	strace $0x90000046  }
0xb3: {  	s29 =	simm.s32 $0x9;
	_ =	strace $0x80000048  }
0xb4: {  	_ =	swait.ge [sflag:s29], $0x1  }
0xb5: {  	[sflag:s29] =	ssyncadd.s32 $0xFFFFFFFF  }
0xb6: {  	_ =	strace $0x90000048  }
0xb7: {  	_ =	sfence  }
0xb8: {  	s30 =	sld [smem:$0x0];
	_ =	sdelay $0x2  }
0xb9: {  	s31 =	sshll.u32 s1, $0xD;
	s1 =	sshrl.u32 s1, $0x2  }
0xba: {  	s3 =	sand.u32 $0x4000, s31;
	s1 =	sadd.s32 s1, s30  }
0xbb: {  	s0 =	sor.u32 s3, s0;
	s1 =	sshll.u32 s1, $0x11  }
0xbc: {  	s0 =	sor.u32 s1, s0  }
0xbd: {  	s0 =	sadd.s32 $0x8F2B, s0  }
0xbe: {  	[sflag:s0] =	ssyncadd.remote.s32 $0x1  }
0xbf: {  	_ =	sfence.sel $0xFFFF  }
0xc0: {  	[dreg:$0x0] =	wrdreg $0xFFFFFFFF;
	(pc) =	sbr.abs _section_cstart, $3  }
0xc1: {  	[dreg:$0x1] =	wrdreg $0xFFFFFFFF  }
0xc2: {  	_ =	task.clear_ibuf [dreg:s7], $0x2FFFF;
	_ =	strace $0x9FFFFFFF  }
0xc3: {  	(tm) =	ssettm $0x7FFFFFFF  }
tec
execute0_lowered:
.L_overlay_start_1:
0x0: {  	(tag) =	ssettag $0x1  }
0x1: {  	s6 =	rddreg [dreg:$0x0]  }
0x2: {  	s2 =	rddreg [dreg:$0x1]  }
0x3: {  	s3 =	rddreg [dreg:$0x2];
	s4 =	srdreg.scid  }
0x4: {  	s1 =	stileid.u32;
	s0 =	rddreg [dreg:$0x3];
	s13 =	simm.s32 $0x2710  }
0x5: {  	s14 =	simm.s32 $0x50;
	s15 =	simm.s32 $0x4E20;
	s16 =	simm.s32 $0x1  }
0x6: {  	s17 =	simm.s32 $0x0;
	s7 =	sand.u32 $0x1, s4;
	s8 =	smul.u32 $0x16380, s1  }
0x7: {  	s4 =	simm.s32 $0x0;
	s31 =	sshll.u32 s1, $0x6;
	s5 =	sshll.u32 s7, $0x4  }
0x8: {  	s9 =	smul.u32 $0x163800, s7;
	[smem:$0x7FF] =	sst s4;
	s7 =	ssub.s32 $0x2, s7  }
0x9: {  	s5 =	sor.u32 s1, s5;
	_ =	strace $0x80000047;
	s30 =	sshrl.u32 s7, $0x1  }
0xa: {  	s12 =	sadd.s32 s8, s3;
	s10 =	smul.u32 $0x4E2, s5;
	s9 =	sadd.s32 s8, s9  }
0xb: {  	s5 =	sadd.s32 $0x15E00, s6;
	s11 =	ssub.s32 s7, s30;
	s9 =	sshrl.u32 s9, $0x3  }
0xc: {  	s10 =	sadd.s32 s10, s6;
	s9 =	sadd.s32 s9, s6;
	s6 =	sor.u32 $0x1C02, s31  }
0xd: {  	s7 =	sadd.s32 $0xC000, s10;
	s8 =	sadd.s32 $0x2200, s10;
	s9 =	sadd.s32 $0x41E00, s9  }
0xe: {  	s10 =	smax.u32 s11, $0x1;
	s11 =	sshrl.u32 s12, $0x3;
	s12 =	simm.s32 $0x2  }
.LBB2_1:
0xf: {  	[spmem:s11], [sflag:s6] =	dma.local [hbm:s2], $0x2C70  }
0x10: {  	_ =	swait.ge [sflag:s12], $0x2C70  }
0x11: {  	[sflag:s12] =	ssyncset.done $0x0  }
0x12: {  	[sflag:s12] =	ssyncadd.s32 $0xFFFFD390  }
0x13: {  	[tilespmem:s4], [sflag:$0x2] =	stream.linear.gather [hbm4b:s7+s4], $0x2710, $0x38;
	[tilespmem:$0x1DEA0] =	vst v63  }
0x14: {  	_ =	swait.ge [sflag:s12], $0x2710  }
0x15: {  	[sflag:s12] =	ssyncset.done $0x0  }
0x16: {  	[sflag:s12] =	ssyncadd.s32 $0xFFFFD8F0  }
0x17: {  	[tilespmem:s13], [sflag:$0x2] =	stream.linear.gather [hbm4b:s8+s4], $0x2710, $0x38;
	[tilespmem:$0x1DEA0] =	vst v63  }
0x18: {  	_ =	swait.ge [sflag:s12], $0x2710  }
0x19: {  	[sflag:s12] =	ssyncset.done $0x0  }
0x1a: {  	[sflag:s12] =	ssyncadd.s32 $0xFFFFD8F0  }
0x1b: {  	s18 =	simm.s32 $0x0;
	[bflag:$0x0] =	sbarrier.arrive $0xFFFF  }
0x1c: {  	[tilespmem:s15], [sflag:$0x1] =	stream.indirect.gather [hbm4b:s5+s14], $0x90, s18, s14, $0xb8;
	[tilespmem:$0x1DEA0] =	vst v63  }
0x1d: {  	_ =	swait.ge [sflag:s16], $0x2D00  }
0x1e: {  	[sflag:s16] =	ssyncset.done $0x0  }
0x1f: {  	s31 =	simm.s32 $0x2710;
	[sflag:s16] =	ssyncadd.s32 $0xFFFFD300  }
0x20: {  	[spmem:s3] =	stream.indirect.scatter.add.f32 [tilespmem:s15], [sflag:$0x2], $0x90, s31, s14, $0xb8;
	[tilespmem:$0x1DEA0] =	vst v63  }
0x21: {  	_ =	swait.ge [sflag:s12], $0x2D00  }
0x22: {  	s19 =	simm.s32 $0x280;
	s18 =	simm.s32 $0x140;
	[sflag:s12] =	ssyncset.done $0x0  }
.LBB2_2:
0x23: {  	s20 =	sshra.s32 s18, $0x2  }
0x24: {  	[sflag:s12] =	ssyncadd.s32 $0xFFFFD300;
	s18 =	smov.u32 s19;
	s21 =	sadd.s32 $0x140, s19  }
0x25: {  	[tilespmem:s15], [sflag:$0x1] =	stream.indirect.gather [hbm4b:s5+s14], $0x90, s20, s14, $0xb8;
	[tilespmem:$0x1DEA0] =	vst v63  }
0x26: {  	p0 =	sne.s32 s19, $0x9B00;
	_ =	swait.ge [sflag:s16], $0x2D00  }
.Ltmp0:
0x27: {  	[sflag:s16] =	ssyncset.done $0x0;
	(pc) =	sbr.rel @p0 .LBB2_2-.Ltmp0, $4  }
0x28: {  	s19 =	sadd.s32 $0x2710, s20;
	[sflag:s16] =	ssyncadd.s32 $0xFFFFD300  }
0x29: {  	[spmem:s3] =	stream.indirect.scatter.add.f32 [tilespmem:s15], [sflag:$0x2], $0x90, s19, s14, $0xb8;
	[tilespmem:$0x1DEA0] =	vst v63  }
0x2a: {  	_ =	swait.ge [sflag:s12], $0x2D00  }
0x2b: {  	s19 =	smov.u32 s21;
	[sflag:s12] =	ssyncset.done $0x0  }
0x2c: {  	s18 =	sshra.s32 s18, $0x2;
	[sflag:s12] =	ssyncadd.s32 $0xFFFFD300  }
0x2d: {  	[tilespmem:s15], [sflag:$0x1] =	stream.indirect.gather [hbm4b:s5+s14], $0x90, s18, s14, $0xb8;
	[tilespmem:$0x1DEA0] =	vst v63  }
0x2e: {  	_ =	swait.ge [sflag:s16], $0x2D00  }
0x2f: {  	[sflag:s16] =	ssyncset.done $0x0  }
0x30: {  	s18 =	sadd.s32 $0x2710, s18;
	[sflag:s16] =	ssyncadd.s32 $0xFFFFD300  }
0x31: {  	[spmem:s3] =	stream.indirect.scatter.add.f32 [tilespmem:s15], [sflag:$0x2], $0x90, s18, s14, $0xb8;
	[tilespmem:$0x1DEA0] =	vst v63  }
0x32: {  	_ =	swait.ge [sflag:s12], $0x2D00  }
0x33: {  	s17 =	sadd.s32 $0x1, s17;
	[sflag:s12] =	ssyncset.done $0x0  }
0x34: {  	p0 =	sne.s32 s17, s10;
	[sflag:s12] =	ssyncadd.s32 $0xFFFFD300  }
.Ltmp1:
0x35: {  	[bflag:$0x0] =	sbarrier.arrive $0xFFFF;
	(pc) =	sbr.rel @p0 .LBB2_1-.Ltmp1, $4  }
0x36: {  	[hbm:s9], [sflag:s6] =	dma.local [spmem:s11], $0x2C70  }
0x37: {  	_ =	swait.ge [sflag:s12], $0x2C70  }
0x38: {  	[sflag:s12] =	ssyncset.done $0x0  }
0x39: {  	[sflag:s12] =	ssyncadd.s32 $0xFFFFD390  }
0x3a: {  	_ =	sfence.sel $0x180000  }
0x3b: {  	[bflag:$0x0] =	sbarrier.arrive $0xFFFF  }
0x3c: {  	p0 =	sne.s32 s1, $0x0;
	_ =	strace $0x90000047  }
0x3d: {  	s0 =	sadd.s32 @!p0 $0x100000, s0;
	[bflag:$0x2] =	sbarrier.arrive $0xFFFF  }
0x3e: {  	[sflag:s0] =	ssyncadd.tile.s32 @!p0 $0x1;
	_ =	shalt  }
.Lfunc_end2:
_tile_overlayer_lowered:
.L_overlay_start_2:
0x3f: {  	(tag) =	ssettag $0x2  }
0x40: {  	s0 =	rddreg [dreg:$0x0];
	s2 =	stileid.u32  }
0x41: {  	s1 =	rddreg [dreg:$0x1];
	p0 =	sne.s32 s2, $0x0  }
0x42: {  	s3 =	rddreg [dreg:$0x2];
	[bflag:$0x3] =	sbarrier.arrive $0xFFFF;
	s2 =	simm.s32 @!p0 $0x1C02  }
0x43: {  	[timem:s3], [sflag:s2] =	dma.local @!p0 [hbm:s0], s1  }
0x44: {  	s0 =	simm.s32 @!p0 $0x2  }
0x45: {  	_ =	swait.ge @!p0 [sflag:s0], s1  }
0x46: {  	s1 =	ssub.s32 @!p0 $0x0, s1;
	[sflag:s0] =	ssyncset.done @!p0 $0x0  }
0x47: {  	[sflag:s0] =	ssyncadd.s32 @!p0 s1  }
0x48: {  	[bflag:$0x3] =	sbarrier.arrive $0xFFFF  }
0x49: {  	_ =	shalt  }

// kernel: kernel.9.cloned.1.call-start
scs
__scs_entry_jumppad:
0x0: {  	(pc) =	sbr.rel $0x88, $3  }
0x1: {  	(tag) =	ssettag $0x0;
	lr =	simm.s32 $0x1  }
0x2: {  	[smem:$0x3F99] =	sst lr;
	_ =	strace $0xD0000000  }
0x3: {  	_ = 	snop  }
0x4: {  	_ = 	snop  }
0x5: {  	_ = 	snop  }
0x6: {  	_ = 	snop  }
0x7: {  	_ = 	snop  }
__scs_overlays_trampoline_lowered:
0x8: {  	[smem:$0x3FA8] =	sst s0  }
0x9: {  	[smem:$0x3FA9] =	sst s1  }
0xa: {  	[smem:$0x3FAA] =	sst s2  }
0xb: {  	[smem:$0x3FAB] =	sst s3  }
0xc: {  	[smem:$0x3FAC] =	sst s4  }
0xd: {  	[smem:$0x3FAD] =	sst s5  }
0xe: {  	[smem:$0x3FAE] =	sst s6  }
0xf: {  	[smem:$0x3FAF] =	sst s7  }
0x10: {  	[smem:$0x3FB0] =	sst s8  }
0x11: {  	[smem:$0x3FB1] =	sst s9;
	s0 =	simm.s32 @!p0 $0x0  }
0x12: {  	s1 =	sld [smem:$0x3F97];
	s0 =	simm.s32 @p0 $0x1  }
0x13: {  	[smem:$0x3FB2] =	sst s0;
	s0 =	simm.s32 @!p1 $0x0  }
0x14: {  	s2 =	sld [smem:$0x3F96];
	s0 =	simm.s32 @p1 $0x1  }
0x15: {  	[smem:$0x3FB3] =	sst s0;
	s0 =	simm.s32 @!p2 $0x0  }
0x16: {  	s3 =	sld [smem:$0x3FDB];
	s0 =	simm.s32 @p2 $0x1  }
0x17: {  	s4 =	simm.s32 $0x1BF5;
	[smem:$0x3FB5] =	sst s0  }
0x18: {  	s0 =	sld [smem:$0x3F98];
	_ =	swait.ge [sflag:s4], $0x0  }
0x19: {  	s7 =	sld [smem:$0x3F99]  }
0x1a: {  	s8 =	sadd.s32 $0xFFFFE003, lr  }
0x1b: {  	s9 =	sadd.s32 $0xFFFFFEF7, lr;
	s5 =	simm.s32 $0xFFFFFFFF;
	p2 =	slt.u32 s8, $0xFFFFF086  }
0x1c: {  	p1 =	slt.u32 s9, $0xF7A;
	s5 =	simm.s32 @!p2 $0x0  }
0x1d: {  	s5 =	simm.s32 @p1 $0x1;
	p0 =	seq.s32 s7, s2  }
0x1e: {  	s7 =	smul.u32 @!p0 $0xF7A, s2;
	p2 =	seq.s32 @!p0 s5, $0x0  }
0x1f: {  	s9 =	smul.u32 $0xF7A, s1;
	s8 =	simm.s32 @!p0 $0x1BF5;
	p2 =	por !p2, p0  }
0x20: {  	[sflag:s8] =	ssyncset.s32 @!p0 $0xFFFFF086;
	s6 =	sadd.s32 @!p0 s3, s7;
	s7 =	simm.s32 @!p0 $0x108  }
0x21: {  	s3 =	sadd.s32 s3, s9;
	s6 =	sadd.s32 @!p0 $0x88, s6;
	s7 =	simm.s32 @p2 $0x1082  }
0x22: {  	[simem:s7], [sflag:s8] =	dma.local @!p0 [hbm:s6], $0xF7A  }
0x23: {  	s9 =	sor.u32 $0xD0000000, s2;
	s6 =	simm.s32 $0x108;
	_ =	swait.ge @!p0 [sflag:s8], $0x0  }
0x24: {  	s3 =	sadd.s32 $0x88, s3;
	s6 =	simm.s32 @!p1 $0x1082;
	[sflag:s4] =	ssyncset.s32 $0xFFFFF086  }
0x25: {  	[simem:s6], [sflag:s4] =	dma.local [hbm:s3], $0xF7A  }
0x26: {  	[smem:$0x3F99] =	sst s1;
	(tag) =	ssettag s2;
	_ =	strace s9  }
0x27: {  	s1 =	sld [smem:$0x3FA9]  }
0x28: {  	s2 =	sld [smem:$0x3FAA]  }
0x29: {  	s4 =	sld [smem:$0x3FAC]  }
0x2a: {  	p0 =	seq.s32 s5, $0x0;
	s5 =	sld [smem:$0x3FAD]  }
0x2b: {  	s6 =	sld [smem:$0x3FAE]  }
0x2c: {  	s7 =	sld [smem:$0x3FAF]  }
0x2d: {  	s3 =	simm.s32 $0x108;
	s8 =	sld [smem:$0x3FB0]  }
0x2e: {  	s3 =	simm.s32 @!p0 $0x1082;
	s9 =	sld [smem:$0x3FB1]  }
0x2f: {  	lr =	sadd.s32 s0, s3;
	s0 =	sld [smem:$0x3FA8]  }
0x30: {  	s3 =	sld [smem:$0x3FAB]  }
0x31: {  	[smem:$0x3FB4] =	sst s10  }
0x32: {  	s10 =	sld [smem:$0x3FB2];
	_ =	sdelay $0x3  }
0x33: {  	p0 =	seq.s32 s10, $0x1;
	s10 =	sld [smem:$0x3FB4];
	_ =	sdelay $0x3  }
0x34: {  	[smem:$0x3FB4] =	sst s10  }
0x35: {  	s10 =	sld [smem:$0x3FB3];
	_ =	sdelay $0x3  }
0x36: {  	p1 =	seq.s32 s10, $0x1;
	s10 =	sld [smem:$0x3FB4];
	_ =	sdelay $0x3  }
0x37: {  	[smem:$0x3FB4] =	sst s10  }
0x38: {  	s10 =	sld [smem:$0x3FB5]  }
0x39: {  	_ = 	snop;
	(pc) =	sbr.ind lr, $3  }
0x3a: {  	_ = 	snop  }
0x3b: {  	_ = 	snop  }
0x3c: {  	p2 =	seq.s32 s10, $0x1;
	s10 =	sld [smem:$0x3FB4]  }
0x3d: {  	_ =	shalt  }
0x3e: {  	_ =	shalt  }
0x3f: {  	_ =	shalt  }
0x40: {  	_ =	shalt  }
0x41: {  	_ =	shalt  }
0x42: {  	_ =	shalt  }
0x43: {  	_ =	shalt  }
0x44: {  	_ =	shalt  }
0x45: {  	_ =	shalt  }
0x46: {  	_ =	shalt  }
0x47: {  	_ =	shalt  }
0x48: {  	_ =	shalt  }
0x49: {  	_ =	shalt  }
0x4a: {  	_ =	shalt  }
0x4b: {  	_ =	shalt  }
0x4c: {  	_ =	shalt  }
0x4d: {  	_ =	shalt  }
0x4e: {  	_ =	shalt  }
0x4f: {  	_ =	shalt  }
0x50: {  	_ =	shalt  }
0x51: {  	_ =	shalt  }
0x52: {  	_ =	shalt  }
0x53: {  	_ =	shalt  }
0x54: {  	_ =	shalt  }
0x55: {  	_ =	shalt  }
0x56: {  	_ =	shalt  }
0x57: {  	_ =	shalt  }
0x58: {  	_ =	shalt  }
0x59: {  	_ =	shalt  }
0x5a: {  	_ =	shalt  }
0x5b: {  	_ =	shalt  }
0x5c: {  	_ =	shalt  }
0x5d: {  	_ =	shalt  }
0x5e: {  	_ =	shalt  }
0x5f: {  	_ =	shalt  }
0x60: {  	_ =	shalt  }
0x61: {  	_ =	shalt  }
0x62: {  	_ =	shalt  }
0x63: {  	_ =	shalt  }
0x64: {  	_ =	shalt  }
0x65: {  	_ =	shalt  }
0x66: {  	_ =	shalt  }
0x67: {  	_ =	shalt  }
0x68: {  	_ =	shalt  }
0x69: {  	_ =	shalt  }
0x6a: {  	_ =	shalt  }
0x6b: {  	_ =	shalt  }
0x6c: {  	_ =	shalt  }
0x6d: {  	_ =	shalt  }
0x6e: {  	_ =	shalt  }
0x6f: {  	_ =	shalt  }
0x70: {  	_ =	shalt  }
0x71: {  	_ =	shalt  }
0x72: {  	_ =	shalt  }
0x73: {  	_ =	shalt  }
0x74: {  	_ =	shalt  }
0x75: {  	_ =	shalt  }
0x76: {  	_ =	shalt  }
0x77: {  	_ =	shalt  }
0x78: {  	_ =	shalt  }
0x79: {  	_ =	shalt  }
0x7a: {  	_ =	shalt  }
0x7b: {  	_ =	shalt  }
0x7c: {  	_ =	shalt  }
0x7d: {  	_ =	shalt  }
0x7e: {  	_ =	shalt  }
0x7f: {  	_ =	shalt  }
0x80: {  	_ =	shalt  }
0x81: {  	_ =	shalt  }
0x82: {  	_ =	shalt  }
0x83: {  	_ =	shalt  }
0x84: {  	_ =	shalt  }
0x85: {  	_ =	shalt  }
0x86: {  	_ =	shalt  }
0x87: {  	_ =	shalt  }
.Lfunc_end0:
.L_simem_size_0:
called_computation.1_lowered:
.L_overlay_start_0:
0x88: {  	s2 =	sld [smem:$0x3FD9]  }
0x89: {  	s3 =	sld [smem:$0x3FFE];
	_ =	sdelay $0x1  }
0x8a: {  	s1 =	srdreg.scid  }
0x8b: {  	s0 =	sand.u32 $0x1, s1  }
0x8c: {  	s17 =	sshll.u32 s0, $0xA;
	s2 =	sadd.s32 s3, s2  }
0x8d: {  	s2 =	sadd.s32 s2, s17  }
0x8e: {  	[smem:$0x3FC0] =	sst s2  }
0x8f: {  	_ = 	snop  }
0x90: {  	s2 =	sld [smem:$0x3FD0];
	(tm) =	ssettm $0x1  }
0x91: {  	s18 =	sld [smem:$0x3FFB];
	_ =	sdelay $0x3  }
0x92: {  	_ =	strace s18  }
0x93: {  	s3 =	sld [smem:$0x3FFC];
	_ =	sdelay $0x3  }
0x94: {  	_ =	strace s3  }
0x95: {  	s3 =	sld [smem:$0x3FFD];
	_ =	sdelay $0x3  }
0x96: {  	_ =	strace s3  }
0x97: {  	_ =	strace $0x8FFFFFFF  }
0x98: {  	s19 =	sld [smem:$0x3FDB];
	_ =	sdelay $0x1  }
0x99: {  	s4 =	simm.s32 $_scs_section_size  }
0x9a: {  	s5 =	simm.s32 $_size__tile_overlayer_lowered;
	s6 =	simm.s32 $_tile_overlayer_lowered  }
0x9b: {  	s22 =	simm.s32 $0x1BFF;
	s21 =	sshll.u32 s6, $0x1;
	s3 =	sadd.s32 s4, s19  }
0x9c: {  	s7 =	simm.s32 $0x0;
	s20 =	sshll.u32 s5, $0x1;
	s5 =	sadd.s32 s21, s3  }
0x9d: {  	[timem:s7], [sflag:s22] =	dma.local [hbm:s5], s20  }
0x9e: {  	_ =	swait.ge [sflag:s22], s20  }
0x9f: {  	s4 =	ssub.s32 $0x0, s20;
	[sflag:s22] =	ssyncset.done $0x0  }
0xa0: {  	[sflag:s22] =	ssyncadd.s32 s4;
	_ =	sdelay $0x1  }
0xa1: {  	s23 =	simm.s32 $0x1B8B  }
0xa2: {  	_ =	swait.ge [sflag:s23], $0x1  }
0xa3: {  	[sflag:s23] =	ssyncset.done $0x0  }
0xa4: {  	s25 =	simm.s32 $0x1B8E;
	s24 =	sld [smem:$0x3FFE];
	[sflag:s23] =	ssyncadd.s32 $0xFFFFFFFF  }
0xa5: {  	s26 =	simm.s32 $execute0_lowered;
	[smem:$0x3FD2] =	sst s25  }
0xa6: {  	s5 =	sshll.u32 s26, $0x1;
	_ =	strace $0x80000049;
	[dreg:$0x1] =	wrdreg $0xFFFFFFFF  }
0xa7: {  	s28 =	simm.s32 $_size_execute0_lowered;
	s3 =	sadd.s32 s3, s5;
	[dreg:$0x0] =	wrdreg $0x0  }
0xa8: {  	s5 =	sshll.u32 s28, $0x1;
	[dreg:$0x2] =	wrdreg s3  }
0xa9: {  	[dreg:$0x3] =	wrdreg s5  }
0xaa: {  	[dreg:$0x4] =	wrdreg $0xC0  }
0xab: {  	_ =	task [dreg:s7], $0x5FFFF  }
0xac: {  	[dreg:$0x1] =	wrdreg $0xFFFFFFFF  }
0xad: {  	[dreg:$0x0] =	wrdreg $0x60  }
0xae: {  	[dreg:$0x2] =	wrdreg s2  }
0xaf: {  	[dreg:$0x3] =	wrdreg s24  }
0xb0: {  	[dreg:$0x4] =	wrdreg $0x5D200  }
0xb1: {  	[dreg:$0x5] =	wrdreg $0x9  }
0xb2: {  	_ =	task.clear_ibuf [dreg:s7], $0x6FFFF;
	_ =	strace $0x90000049  }
0xb3: {  	s29 =	simm.s32 $0x9;
	_ =	strace $0x8000004B  }
0xb4: {  	_ =	swait.ge [sflag:s29], $0x1  }
0xb5: {  	[sflag:s29] =	ssyncadd.s32 $0xFFFFFFFF  }
0xb6: {  	_ =	strace $0x9000004B  }
0xb7: {  	_ =	sfence  }
0xb8: {  	s30 =	sld [smem:$0x0];
	_ =	sdelay $0x2  }
0xb9: {  	s31 =	sshll.u32 s1, $0xD;
	s1 =	sshrl.u32 s1, $0x2  }
0xba: {  	s3 =	sand.u32 $0x4000, s31;
	s1 =	sadd.s32 s1, s30  }
0xbb: {  	s0 =	sor.u32 s3, s0;
	s1 =	sshll.u32 s1, $0x11  }
0xbc: {  	s0 =	sor.u32 s1, s0  }
0xbd: {  	s0 =	sadd.s32 $0x8F2B, s0  }
0xbe: {  	[sflag:s0] =	ssyncadd.remote.s32 $0x1  }
0xbf: {  	_ =	sfence.sel $0xFFFF  }
0xc0: {  	[dreg:$0x0] =	wrdreg $0xFFFFFFFF;
	(pc) =	sbr.abs _section_cstart, $3  }
0xc1: {  	[dreg:$0x1] =	wrdreg $0xFFFFFFFF  }
0xc2: {  	_ =	task.clear_ibuf [dreg:s7], $0x2FFFF;
	_ =	strace $0x9FFFFFFF  }
0xc3: {  	(tm) =	ssettm $0x7FFFFFFF  }
tec
execute0_lowered:
.L_overlay_start_1:
0x0: {  	(tag) =	ssettag $0x1  }
0x1: {  	s2 =	rddreg [dreg:$0x0]  }
0x2: {  	s6 =	rddreg [dreg:$0x1]  }
0x3: {  	s0 =	srdreg.scid;
	s3 =	rddreg [dreg:$0x2]  }
0x4: {  	s1 =	stileid.u32;
	s4 =	simm.s32 $0x0;
	s14 =	simm.s32 $0x50  }
0x5: {  	s15 =	simm.s32 $0x4E20;
	s16 =	simm.s32 $0x1;
	s17 =	simm.s32 $0x0  }
0x6: {  	s5 =	sand.u32 $0x1, s0;
	s0 =	rddreg [dreg:$0x3];
	s8 =	smul.u32 $0x7680, s1  }
0x7: {  	[smem:$0x7FF] =	sst s4;
	s31 =	sshll.u32 s1, $0x6;
	s7 =	sshll.u32 s5, $0x4  }
0x8: {  	s9 =	smul.u32 $0x76800, s5;
	_ =	strace $0x8000004A;
	s7 =	sor.u32 s1, s7  }
0x9: {  	s29 =	ssub.s32 $0x2, s5;
	s5 =	sadd.s32 $0xB2200, s6;
	s7 =	smul.u32 $0x4E2, s7  }
0xa: {  	s30 =	sshrl.u32 s29, $0x1;
	s13 =	sadd.s32 s8, s3;
	s9 =	sadd.s32 s8, s9  }
0xb: {  	s12 =	ssub.s32 s29, s30;
	s28 =	sshrl.u32 s9, $0x3;
	s10 =	sadd.s32 s7, s6  }
0xc: {  	s11 =	sadd.s32 s28, s6;
	s6 =	sor.u32 $0x1C02, s31;
	s7 =	sadd.s32 $0xC000, s10  }
0xd: {  	s8 =	sadd.s32 $0x2200, s10;
	s9 =	sadd.s32 $0xB3200, s11;
	s10 =	smax.u32 s12, $0x1  }
0xe: {  	s11 =	sshrl.u32 s13, $0x3;
	s12 =	simm.s32 $0x2;
	s13 =	simm.s32 $0x2710  }
.LBB2_1:
0xf: {  	[spmem:s11], [sflag:s6] =	dma.local [hbm:s5], $0xED0  }
0x10: {  	_ =	swait.ge [sflag:s12], $0xED0  }
0x11: {  	[sflag:s12] =	ssyncset.done $0x0  }
0x12: {  	[sflag:s12] =	ssyncadd.s32 $0xFFFFF130  }
0x13: {  	[tilespmem:s4], [sflag:$0x2] =	stream.linear.gather [hbm4b:s7+s4], $0x2710, $0x38;
	[tilespmem:$0xD3A0] =	vst v63  }
0x14: {  	_ =	swait.ge [sflag:s12], $0x2710  }
0x15: {  	[sflag:s12] =	ssyncset.done $0x0  }
0x16: {  	[sflag:s12] =	ssyncadd.s32 $0xFFFFD8F0  }
0x17: {  	[tilespmem:s13], [sflag:$0x2] =	stream.linear.gather [hbm4b:s8+s4], $0x2710, $0x38;
	[tilespmem:$0xD3A0] =	vst v63  }
0x18: {  	_ =	swait.ge [sflag:s12], $0x2710  }
0x19: {  	[sflag:s12] =	ssyncset.done $0x0  }
0x1a: {  	[sflag:s12] =	ssyncadd.s32 $0xFFFFD8F0  }
0x1b: {  	s18 =	simm.s32 $0x0;
	[bflag:$0x0] =	sbarrier.arrive $0xFFFF  }
0x1c: {  	[tilespmem:s15], [sflag:$0x1] =	stream.indirect.gather [hbm4b:s2+s14], $0x30, s18, s14, $0xb8;
	[tilespmem:$0xD3A0] =	vst v63  }
0x1d: {  	_ =	swait.ge [sflag:s16], $0xF00  }
0x1e: {  	[sflag:s16] =	ssyncset.done $0x0  }
0x1f: {  	s31 =	simm.s32 $0x2710;
	[sflag:s16] =	ssyncadd.s32 $0xFFFFF100  }
0x20: {  	[spmem:s3] =	stream.indirect.scatter.add.f32 [tilespmem:s15], [sflag:$0x2], $0x30, s31, s14, $0xb8;
	[tilespmem:$0xD3A0] =	vst v63  }
0x21: {  	_ =	swait.ge [sflag:s12], $0xF00  }
0x22: {  	s19 =	simm.s32 $0x280;
	s18 =	simm.s32 $0x140;
	[sflag:s12] =	ssyncset.done $0x0  }
.LBB2_2:
0x23: {  	s20 =	sshra.s32 s18, $0x2  }
0x24: {  	[sflag:s12] =	ssyncadd.s32 $0xFFFFF100;
	s18 =	smov.u32 s19;
	s21 =	sadd.s32 $0x140, s19  }
0x25: {  	[tilespmem:s15], [sflag:$0x1] =	stream.indirect.gather [hbm4b:s2+s14], $0x30, s20, s14, $0xb8;
	[tilespmem:$0xD3A0] =	vst v63  }
0x26: {  	p0 =	sne.s32 s19, $0x9B00;
	_ =	swait.ge [sflag:s16], $0xF00  }
.Ltmp0:
0x27: {  	[sflag:s16] =	ssyncset.done $0x0;
	(pc) =	sbr.rel @p0 .LBB2_2-.Ltmp0, $4  }
0x28: {  	s19 =	sadd.s32 $0x2710, s20;
	[sflag:s16] =	ssyncadd.s32 $0xFFFFF100  }
0x29: {  	[spmem:s3] =	stream.indirect.scatter.add.f32 [tilespmem:s15], [sflag:$0x2], $0x30, s19, s14, $0xb8;
	[tilespmem:$0xD3A0] =	vst v63  }
0x2a: {  	_ =	swait.ge [sflag:s12], $0xF00  }
0x2b: {  	s19 =	smov.u32 s21;
	[sflag:s12] =	ssyncset.done $0x0  }
0x2c: {  	s18 =	sshra.s32 s18, $0x2;
	[sflag:s12] =	ssyncadd.s32 $0xFFFFF100  }
0x2d: {  	[tilespmem:s15], [sflag:$0x1] =	stream.indirect.gather [hbm4b:s2+s14], $0x30, s18, s14, $0xb8;
	[tilespmem:$0xD3A0] =	vst v63  }
0x2e: {  	_ =	swait.ge [sflag:s16], $0xF00  }
0x2f: {  	[sflag:s16] =	ssyncset.done $0x0  }
0x30: {  	s18 =	sadd.s32 $0x2710, s18;
	[sflag:s16] =	ssyncadd.s32 $0xFFFFF100  }
0x31: {  	[spmem:s3] =	stream.indirect.scatter.add.f32 [tilespmem:s15], [sflag:$0x2], $0x30, s18, s14, $0xb8;
	[tilespmem:$0xD3A0] =	vst v63  }
0x32: {  	_ =	swait.ge [sflag:s12], $0xF00  }
0x33: {  	s17 =	sadd.s32 $0x1, s17;
	[sflag:s12] =	ssyncset.done $0x0  }
0x34: {  	p0 =	sne.s32 s17, s10;
	[sflag:s12] =	ssyncadd.s32 $0xFFFFF100  }
.Ltmp1:
0x35: {  	[bflag:$0x0] =	sbarrier.arrive $0xFFFF;
	(pc) =	sbr.rel @p0 .LBB2_1-.Ltmp1, $4  }
0x36: {  	[hbm:s9], [sflag:s6] =	dma.local [spmem:s11], $0xED0  }
0x37: {  	_ =	swait.ge [sflag:s12], $0xED0  }
0x38: {  	[sflag:s12] =	ssyncset.done $0x0  }
0x39: {  	[sflag:s12] =	ssyncadd.s32 $0xFFFFF130  }
0x3a: {  	_ =	sfence.sel $0x180000  }
0x3b: {  	[bflag:$0x0] =	sbarrier.arrive $0xFFFF  }
0x3c: {  	p0 =	sne.s32 s1, $0x0;
	_ =	strace $0x9000004A  }
0x3d: {  	s0 =	sadd.s32 @!p0 $0x100000, s0;
	[bflag:$0x2] =	sbarrier.arrive $0xFFFF  }
0x3e: {  	[sflag:s0] =	ssyncadd.tile.s32 @!p0 $0x1;
	_ =	shalt  }
.Lfunc_end2:
_tile_overlayer_lowered:
.L_overlay_start_2:
0x3f: {  	(tag) =	ssettag $0x2  }
0x40: {  	s0 =	rddreg [dreg:$0x0];
	s2 =	stileid.u32  }
0x41: {  	s1 =	rddreg [dreg:$0x1];
	p0 =	sne.s32 s2, $0x0  }
0x42: {  	s3 =	rddreg [dreg:$0x2];
	[bflag:$0x3] =	sbarrier.arrive $0xFFFF;
	s2 =	simm.s32 @!p0 $0x1C02  }
0x43: {  	[timem:s3], [sflag:s2] =	dma.local @!p0 [hbm:s0], s1  }
0x44: {  	s0 =	simm.s32 @!p0 $0x2  }
0x45: {  	_ =	swait.ge @!p0 [sflag:s0], s1  }
0x46: {  	s1 =	ssub.s32 @!p0 $0x0, s1;
	[sflag:s0] =	ssyncset.done @!p0 $0x0  }
0x47: {  	[sflag:s0] =	ssyncadd.s32 @!p0 s1  }
0x48: {  	[bflag:$0x3] =	sbarrier.arrive $0xFFFF  }
0x49: {  	_ =	shalt  }

</sc_bundles>
